<compile_context>
chip_gen: v7x
topology: tpu7x:2x2x1
jax: 0.10.2.dev20260603
libtpu: 0.0.44.dev20260713+nightly
codegen_flags: <defaults>
</compile_context>

<pallas_src>
import dataclasses
import math

import jax
import jax.numpy as jnp
import numpy as np
from jax import lax
from jax.experimental import pallas as pl
from jax.experimental.pallas import tpu as pltpu
from jax.experimental.pallas import tpu_sc as plsc

B = 8
D_IN = 2048
KDIM = 8192
NACT = 81
BK = 512
GRID = KDIM // BK
CHUNK = KDIM // 4
L = 16

_INT_MIN = np.int32(-2147483648)
_MASK31 = np.int32(0x7FFFFFFF)


def _count_ge(key, thresh):
    return jnp.sum((key >= thresh).astype(jnp.int32), axis=1, keepdims=True)


def _tc_body(z_ref, pr_ref, pi_ref, phi_ref, lamr_ref, lami_ref,
             scores_ref, tcx_ref, pf_ref, cphi_ref, sphi_ref, cx_scr):
    i = pl.program_id(0)
    pr = pr_ref[...]
    pi = pi_ref[...]
    ss = jnp.sum(pr * pr + pi * pi, axis=1, keepdims=True)
    nrm = jnp.maximum(jnp.sqrt(ss), 1e-12)
    prn = pr / nrm
    s = lax.dot_general(z_ref[...], prn, (((1,), (1,)), ((), ())),
                        preferred_element_type=jnp.float32)
    scores_ref[:, pl.ds(pl.multiple_of(i * BK, BK), BK)] = s

    @pl.when(i == 0)
    def _trig():
        phi = phi_ref[...]
        cphi_ref[...] = jnp.cos(phi)
        sphi_ref[...] = jnp.sin(phi)

    @pl.when(i == GRID - 1)
    def _finish():
        scores = scores_ref[...]
        raw = lax.bitcast_convert_type(scores, jnp.int32)
        sgn = lax.shift_right_arithmetic(raw, 31)
        key = jnp.bitwise_xor(raw, jnp.bitwise_and(sgn, _MASK31))

        c = jnp.zeros((B, 1), jnp.int32)
        for b in range(31, -1, -1):
            bit = _INT_MIN if b == 31 else jnp.int32(1 << b)
            cand = jnp.bitwise_or(c, bit)
            cnt = _count_ge(key, jnp.bitwise_xor(cand, _INT_MIN))
            c = jnp.where(cnt >= NACT, cand, c)
        t_s = jnp.bitwise_xor(c, _INT_MIN)

        is_gt = key > t_s
        is_eq = key == t_s
        cnt_gt = jnp.sum(is_gt.astype(jnp.int32), axis=1, keepdims=True)
        cnt_eq = jnp.sum(is_eq.astype(jnp.int32), axis=1, keepdims=True)
        need = NACT - cnt_gt
        iota = lax.broadcasted_iota(jnp.int32, (B, KDIM), 1)
        cx_scr[...] = jnp.full((B, 1), KDIM - 1, jnp.int32)

        @pl.when(jnp.any(cnt_eq > need))
        def _ties():
            cx = jnp.zeros((B, 1), jnp.int32)
            for b in range(12, -1, -1):
                cand = jnp.bitwise_or(cx, jnp.int32(1 << b))
                cnt = jnp.sum((is_eq & (iota < cand)).astype(jnp.int32),
                              axis=1, keepdims=True)
                cx = jnp.where(cnt < need, cand, cx)
            cx_scr[...] = cx

        cx = cx_scr[...]
        mask = is_gt | (is_eq & (iota <= cx))
        sv = jnp.where(mask, scores, 0.0)

        lam_r = lamr_ref[0, 0]
        lam_i = lami_ref[0, 0]
        z = z_ref[...]
        cphi1 = cphi_ref[:, :D_IN]
        sphi1 = sphi_ref[:, :D_IN]
        sv1 = sv[:, :D_IN]
        n2 = (jnp.sum(sv * sv, axis=1, keepdims=True)
              + 2.0 * jnp.sum(sv1 * z * (lam_r * cphi1 + lam_i * sphi1),
                              axis=1, keepdims=True)
              + (lam_r * lam_r + lam_i * lam_i)
              * jnp.sum(z * z, axis=1, keepdims=True))
        scale = math.sqrt(KDIM) / jnp.maximum(jnp.sqrt(n2), 1e-12)

        tcx_ref[...] = jnp.concatenate(
            [jnp.broadcast_to(t_s, (B, 16)), jnp.broadcast_to(cx, (B, 16)),
             jnp.zeros((B, 96), jnp.int32)], axis=1)
        pf_ref[...] = jnp.concatenate(
            [jnp.broadcast_to(scale, (B, 16)),
             jnp.full((B, 16), lam_r), jnp.full((B, 16), lam_i),
             jnp.zeros((B, 80), jnp.float32)], axis=1)


def _tc_call(z_in, P_real, P_imag, phi2d, lam_r, lam_i):
    return pl.pallas_call(
        _tc_body,
        grid=(GRID,),
        in_specs=[
            pl.BlockSpec((B, D_IN), lambda i: (0, 0)),
            pl.BlockSpec((BK, D_IN), lambda i: (i, 0)),
            pl.BlockSpec((BK, D_IN), lambda i: (i, 0)),
            pl.BlockSpec((1, KDIM), lambda i: (0, 0)),
            pl.BlockSpec(memory_space=pltpu.SMEM),
            pl.BlockSpec(memory_space=pltpu.SMEM),
        ],
        out_specs=[
            pl.BlockSpec((B, KDIM), lambda i: (0, 0)),
            pl.BlockSpec((B, 128), lambda i: (0, 0)),
            pl.BlockSpec((B, 128), lambda i: (0, 0)),
            pl.BlockSpec((1, KDIM), lambda i: (0, 0)),
            pl.BlockSpec((1, KDIM), lambda i: (0, 0)),
        ],
        out_shape=[
            jax.ShapeDtypeStruct((B, KDIM), jnp.float32),
            jax.ShapeDtypeStruct((B, 128), jnp.int32),
            jax.ShapeDtypeStruct((B, 128), jnp.float32),
            jax.ShapeDtypeStruct((1, KDIM), jnp.float32),
            jax.ShapeDtypeStruct((1, KDIM), jnp.float32),
        ],
        scratch_shapes=[pltpu.VMEM((B, 1), jnp.int32)],
        compiler_params=pltpu.CompilerParams(
            dimension_semantics=("arbitrary",)),
    )(z_in, P_real, P_imag, phi2d, lam_r, lam_i)


def _sc_body(scores_hbm, tcx_hbm, pf_hbm, cphi_hbm, sphi_hbm, z_hbm,
             out_r_hbm, out_i_hbm,
             s_v, c_v, sn_v, z_v, tcx_v, pf_v, or_v, oi_v, sem):
    cid = lax.axis_index("c")
    sid = lax.axis_index("s")
    r = jnp.bitwise_and(sid, 7)
    q = 2 * cid + lax.shift_right_logical(sid, 3)
    base = q * CHUNK

    cps = [pltpu.async_copy(scores_hbm.at[r, pl.ds(base, CHUNK)], s_v, sem),
           pltpu.async_copy(cphi_hbm.at[pl.ds(base, CHUNK)], c_v, sem),
           pltpu.async_copy(sphi_hbm.at[pl.ds(base, CHUNK)], sn_v, sem),
           pltpu.async_copy(tcx_hbm.at[r], tcx_v, sem),
           pltpu.async_copy(pf_hbm.at[r], pf_v, sem),
           pltpu.async_copy(z_hbm.at[r], z_v, sem)]
    for cp in cps:
        cp.wait()

    t_b = tcx_v[pl.ds(0, L)]
    cx_b = tcx_v[pl.ds(16, L)]
    scale_b = pf_v[pl.ds(0, L)]
    lamr_b = pf_v[pl.ds(16, L)]
    lami_b = pf_v[pl.ds(32, L)]
    lane = lax.iota(jnp.int32, L)

    def _mask_sv(j):
        s = s_v[pl.ds(j, L)]
        raw = plsc.bitcast(s, jnp.int32)
        sgn = lax.shift_right_arithmetic(raw, 31)
        key = jnp.bitwise_xor(raw, jnp.bitwise_and(sgn, _MASK31))
        gidx = lane + (base + j)
        keep = (key > t_b) | ((key == t_b) & (gidx <= cx_b))
        return jnp.where(keep, s, 0.0)

    @pl.when(q == 0)
    def _first_quarter():
        @pl.loop(0, CHUNK, step=L)
        def _(j):
            sv = _mask_sv(j)
            zc = z_v[pl.ds(j, L)]
            or_v[pl.ds(j, L)] = (sv * c_v[pl.ds(j, L)]
                                 + lamr_b * zc) * scale_b
            oi_v[pl.ds(j, L)] = (sv * sn_v[pl.ds(j, L)]
                                 + lami_b * zc) * scale_b

    @pl.when(q != 0)
    def _rest():
        @pl.loop(0, CHUNK, step=L)
        def _(j):
            sv = _mask_sv(j)
            or_v[pl.ds(j, L)] = sv * c_v[pl.ds(j, L)] * scale_b
            oi_v[pl.ds(j, L)] = sv * sn_v[pl.ds(j, L)] * scale_b

    co1 = pltpu.async_copy(or_v, out_r_hbm.at[r, pl.ds(base, CHUNK)], sem)
    co2 = pltpu.async_copy(oi_v, out_i_hbm.at[r, pl.ds(base, CHUNK)], sem)
    co1.wait()
    co2.wait()


def _sc_call(scores, tcx, pf, cphi, sphi, z_in):
    mesh = plsc.VectorSubcoreMesh(core_axis_name="c", subcore_axis_name="s")
    cp = pltpu.CompilerParams()
    if "needs_layout_passes" in pltpu.CompilerParams.__dataclass_fields__:
        cp = dataclasses.replace(cp, needs_layout_passes=False)
    run = pl.kernel(
        _sc_body,
        out_type=[
            jax.ShapeDtypeStruct((B, KDIM), jnp.float32),
            jax.ShapeDtypeStruct((B, KDIM), jnp.float32),
        ],
        mesh=mesh,
        scratch_types=[
            pltpu.VMEM((CHUNK,), jnp.float32),
            pltpu.VMEM((CHUNK,), jnp.float32),
            pltpu.VMEM((CHUNK,), jnp.float32),
            pltpu.VMEM((D_IN,), jnp.float32),
            pltpu.VMEM((128,), jnp.int32),
            pltpu.VMEM((128,), jnp.float32),
            pltpu.VMEM((CHUNK,), jnp.float32),
            pltpu.VMEM((CHUNK,), jnp.float32),
            pltpu.SemaphoreType.DMA,
        ],
        compiler_params=cp,
    )
    return run(scores, tcx, pf, cphi, sphi, z_in)


def kernel(z_in, P_real, P_imag, phi, lam_real, lam_imag):
    phi2d = phi.reshape(1, KDIM)
    lam_r = lam_real.reshape(1, 1).astype(jnp.float32)
    lam_i = lam_imag.reshape(1, 1).astype(jnp.float32)
    scores, tcx, pf, cphi, sphi = _tc_call(
        z_in, P_real, P_imag, phi2d, lam_r, lam_i)
    out_r, out_i = _sc_call(scores, tcx, pf,
                            cphi.reshape(KDIM), sphi.reshape(KDIM), z_in)
    return lax.complex(out_r, out_i)

# --- scband reference (transcript-rebuilt; emitter-appended) ---
"""Pipeline reference for scband-phase-block-6983616823512 (READ-ONLY COPY).

The authoritative reference and input builder live on the scoring server;
editing this copy changes nothing except your own understanding.
"""

import jax, jax.numpy as jnp
import numpy as np
import math

B = 8
D_IN = 2048
K = 8192
SPARSITY = 0.01
ACTIVE = max(1, int(SPARSITY * K))


def setup_inputs(seed: int = 0) -> dict:
    key = jax.random.key(seed)
    k1, k2, k3 = jax.random.split(key, 3)
    z_in = jax.random.normal(k1, (B, D_IN), dtype=jnp.float32)
    P_real = jax.random.normal(k2, (K, D_IN), dtype=jnp.float32) / math.sqrt(D_IN)
    P_imag = jax.random.normal(k3, (K, D_IN), dtype=jnp.float32) / math.sqrt(D_IN)
    # match torch init: F.normalize(complex(P_real, P_imag), dim=1)
    nrm = jnp.maximum(jnp.sqrt(jnp.sum(P_real ** 2 + P_imag ** 2, axis=1, keepdims=True)), 1e-12)
    P_real = P_real / nrm
    P_imag = P_imag / nrm
    phi = jnp.zeros((K,), dtype=jnp.float32)
    lam_real = jnp.array(1.0, dtype=jnp.float32)
    lam_imag = jnp.array(0.0, dtype=jnp.float32)
    return {"z_in": z_in, "P_real": P_real, "P_imag": P_imag, "phi": phi,
            "lam_real": lam_real, "lam_imag": lam_imag}


def reference(z_in, P_real, P_imag, phi, lam_real, lam_imag):
    # z_in is real -> promote to complex (torch.complex(z, 0))
    z = z_in.astype(jnp.complex64)
    P = P_real.astype(jnp.complex64) + 1j * P_imag.astype(jnp.complex64)
    # F.normalize(self.P, dim=1)
    nrm = jnp.maximum(jnp.sqrt(jnp.sum(P_real ** 2 + P_imag ** 2, axis=1, keepdims=True)), 1e-12)
    P_norm = P / nrm.astype(jnp.complex64)
    # scores = real(z @ P_norm.conj().T)
    scores = jnp.real(z @ jnp.conj(P_norm).T)
    val, idx = jax.lax.top_k(scores, ACTIVE)
    # z_active_full[b, idx[b]] = val[b] * exp(1j * phi[idx[b]])
    active_values = val.astype(jnp.complex64) * jnp.exp(1j * phi[idx].astype(jnp.complex64))
    Bn = z.shape[0]
    z_active_full = jnp.zeros((Bn, K), dtype=jnp.complex64)
    z_active_full = z_active_full.at[jnp.arange(Bn)[:, None], idx].set(active_values)
    lam = lam_real.astype(jnp.complex64) + 1j * lam_imag.astype(jnp.complex64)
    d = z.shape[1]
    if d >= K:
        z_residual = lam * z[:, :K]
    else:
        padding = jnp.zeros((Bn, K - d), dtype=jnp.complex64)
        z_residual = lam * jnp.concatenate([z, padding], axis=1)
    z_out = z_active_full + z_residual
    out_nrm = jnp.maximum(jnp.sqrt(jnp.sum(jnp.real(z_out) ** 2 + jnp.imag(z_out) ** 2, axis=1, keepdims=True)), 1e-12)
    z_out = z_out / out_nrm.astype(jnp.complex64) * math.sqrt(K)
    return z_out

if __name__ == "__main__":
    import jax
    _d = setup_inputs()
    print(jax.jit(kernel)(*tuple(_d.values())))

</pallas_src>

<mosaic_0001>
#map = affine_map<(d0, d1) -> (0, 0)>
#map1 = affine_map<(d0, d1) -> (0)>
module attributes {stable_mosaic.version = 14 : i64} {
  func.func @_sc_body(%arg0: i32, %arg1: i32, %arg2: memref<8x8192xf32, #tpu.memory_space<hbm>>, %arg3: memref<8x128xi32, #tpu.memory_space<hbm>>, %arg4: memref<8x128xf32, #tpu.memory_space<hbm>>, %arg5: memref<8192xf32, #tpu.memory_space<hbm>>, %arg6: memref<8192xf32, #tpu.memory_space<hbm>>, %arg7: memref<8x2048xf32, #tpu.memory_space<hbm>>, %arg8: memref<8x8192xf32, #tpu.memory_space<hbm>>, %arg9: memref<8x8192xf32, #tpu.memory_space<hbm>>, %arg10: memref<2048xf32, #tpu.memory_space<vmem>>, %arg11: memref<2048xf32, #tpu.memory_space<vmem>>, %arg12: memref<2048xf32, #tpu.memory_space<vmem>>, %arg13: memref<2048xf32, #tpu.memory_space<vmem>>, %arg14: memref<128xi32, #tpu.memory_space<vmem>>, %arg15: memref<128xf32, #tpu.memory_space<vmem>>, %arg16: memref<2048xf32, #tpu.memory_space<vmem>>, %arg17: memref<2048xf32, #tpu.memory_space<vmem>>, %arg18: memref<!tpu.dma_semaphore, #tpu.memory_space<semaphore_mem>>) attributes {dimension_semantics = [#tpu.dimension_semantics<core_parallel>, #tpu.dimension_semantics<subcore_parallel>], iteration_bounds = array<i64: 2, 16>, scalar_prefetch = 0 : i64, scratch_operands = 9 : i64, tpu.core_type = #tpu.core_type<sc_vector_subcore>, window_params = [{transform_indices = #map}, {transform_indices = #map}, {transform_indices = #map}, {transform_indices = #map1}, {transform_indices = #map1}, {transform_indices = #map}, {transform_indices = #map}, {transform_indices = #map}]} {
    %and3A = arith.constant 7 : i32
    %and3A_0 = arith.andi %arg1, %and3A : i32
    %mul3A = arith.constant 2 : i32
    %mul3A_1 = arith.muli %mul3A, %arg0 : i32
    %shift_right_logical3A = arith.constant 3 : i32
    %shift_right_logical3A_2 = arith.shrui %arg1, %shift_right_logical3A : i32
    %add3A = arith.addi %mul3A_1, %shift_right_logical3A_2 : i32
    %mul3A_3 = arith.constant 2048 : i32
    %mul3A_4 = arith.muli %add3A, %mul3A_3 : i32
    %dma_start3A = tpu.memref_slice %arg2[%and3A_0, %mul3A_4] : memref<8x8192xf32, #tpu.memory_space<hbm>> -> memref<1x2048xf32, #tpu.memory_space<hbm>>
    %dma_start3A_5 = tpu.memref_squeeze %dma_start3A : memref<1x2048xf32, #tpu.memory_space<hbm>> -> memref<2048xf32, #tpu.memory_space<hbm>>
    %dma_start3A_6 = tpu.memref_slice %arg2[%and3A_0, %mul3A_4] : memref<8x8192xf32, #tpu.memory_space<hbm>> -> memref<1x2048xf32, #tpu.memory_space<hbm>>
    %dma_start3A_7 = tpu.memref_squeeze %dma_start3A_6 : memref<1x2048xf32, #tpu.memory_space<hbm>> -> memref<2048xf32, #tpu.memory_space<hbm>>
    tpu.enqueue_dma source(%dma_start3A_7 : memref<2048xf32, #tpu.memory_space<hbm>>) target(%arg10 : memref<2048xf32, #tpu.memory_space<vmem>>) target_semaphore(%arg18 : memref<!tpu.dma_semaphore, #tpu.memory_space<semaphore_mem>>)
    %dma_start3A_8 = tpu.memref_slice %arg5[%mul3A_4] : memref<8192xf32, #tpu.memory_space<hbm>> -> memref<2048xf32, #tpu.memory_space<hbm>>
    %dma_start3A_9 = tpu.memref_slice %arg5[%mul3A_4] : memref<8192xf32, #tpu.memory_space<hbm>> -> memref<2048xf32, #tpu.memory_space<hbm>>
    tpu.enqueue_dma source(%dma_start3A_9 : memref<2048xf32, #tpu.memory_space<hbm>>) target(%arg11 : memref<2048xf32, #tpu.memory_space<vmem>>) target_semaphore(%arg18 : memref<!tpu.dma_semaphore, #tpu.memory_space<semaphore_mem>>)
    %dma_start3A_10 = tpu.memref_slice %arg6[%mul3A_4] : memref<8192xf32, #tpu.memory_space<hbm>> -> memref<2048xf32, #tpu.memory_space<hbm>>
    %dma_start3A_11 = tpu.memref_slice %arg6[%mul3A_4] : memref<8192xf32, #tpu.memory_space<hbm>> -> memref<2048xf32, #tpu.memory_space<hbm>>
    tpu.enqueue_dma source(%dma_start3A_11 : memref<2048xf32, #tpu.memory_space<hbm>>) target(%arg12 : memref<2048xf32, #tpu.memory_space<vmem>>) target_semaphore(%arg18 : memref<!tpu.dma_semaphore, #tpu.memory_space<semaphore_mem>>)
    %dma_start3A_12 = arith.constant 0 : i32
    %dma_start3A_13 = tpu.memref_slice %arg3[%and3A_0, %dma_start3A_12] : memref<8x128xi32, #tpu.memory_space<hbm>> -> memref<1x128xi32, #tpu.memory_space<hbm>>
    %dma_start3A_14 = tpu.memref_squeeze %dma_start3A_13 : memref<1x128xi32, #tpu.memory_space<hbm>> -> memref<128xi32, #tpu.memory_space<hbm>>
    %dma_start3A_15 = arith.constant 0 : i32
    %dma_start3A_16 = tpu.memref_slice %arg3[%and3A_0, %dma_start3A_15] : memref<8x128xi32, #tpu.memory_space<hbm>> -> memref<1x128xi32, #tpu.memory_space<hbm>>
    %dma_start3A_17 = tpu.memref_squeeze %dma_start3A_16 : memref<1x128xi32, #tpu.memory_space<hbm>> -> memref<128xi32, #tpu.memory_space<hbm>>
    tpu.enqueue_dma source(%dma_start3A_17 : memref<128xi32, #tpu.memory_space<hbm>>) target(%arg14 : memref<128xi32, #tpu.memory_space<vmem>>) target_semaphore(%arg18 : memref<!tpu.dma_semaphore, #tpu.memory_space<semaphore_mem>>)
    %dma_start3A_18 = arith.constant 0 : i32
    %dma_start3A_19 = tpu.memref_slice %arg4[%and3A_0, %dma_start3A_18] : memref<8x128xf32, #tpu.memory_space<hbm>> -> memref<1x128xf32, #tpu.memory_space<hbm>>
    %dma_start3A_20 = tpu.memref_squeeze %dma_start3A_19 : memref<1x128xf32, #tpu.memory_space<hbm>> -> memref<128xf32, #tpu.memory_space<hbm>>
    %dma_start3A_21 = arith.constant 0 : i32
    %dma_start3A_22 = tpu.memref_slice %arg4[%and3A_0, %dma_start3A_21] : memref<8x128xf32, #tpu.memory_space<hbm>> -> memref<1x128xf32, #tpu.memory_space<hbm>>
    %dma_start3A_23 = tpu.memref_squeeze %dma_start3A_22 : memref<1x128xf32, #tpu.memory_space<hbm>> -> memref<128xf32, #tpu.memory_space<hbm>>
    tpu.enqueue_dma source(%dma_start3A_23 : memref<128xf32, #tpu.memory_space<hbm>>) target(%arg15 : memref<128xf32, #tpu.memory_space<vmem>>) target_semaphore(%arg18 : memref<!tpu.dma_semaphore, #tpu.memory_space<semaphore_mem>>)
    %dma_start3A_24 = arith.constant 0 : i32
    %dma_start3A_25 = tpu.memref_slice %arg7[%and3A_0, %dma_start3A_24] : memref<8x2048xf32, #tpu.memory_space<hbm>> -> memref<1x2048xf32, #tpu.memory_space<hbm>>
    %dma_start3A_26 = tpu.memref_squeeze %dma_start3A_25 : memref<1x2048xf32, #tpu.memory_space<hbm>> -> memref<2048xf32, #tpu.memory_space<hbm>>
    %dma_start3A_27 = arith.constant 0 : i32
    %dma_start3A_28 = tpu.memref_slice %arg7[%and3A_0, %dma_start3A_27] : memref<8x2048xf32, #tpu.memory_space<hbm>> -> memref<1x2048xf32, #tpu.memory_space<hbm>>
    %dma_start3A_29 = tpu.memref_squeeze %dma_start3A_28 : memref<1x2048xf32, #tpu.memory_space<hbm>> -> memref<2048xf32, #tpu.memory_space<hbm>>
    tpu.enqueue_dma source(%dma_start3A_29 : memref<2048xf32, #tpu.memory_space<hbm>>) target(%arg13 : memref<2048xf32, #tpu.memory_space<vmem>>) target_semaphore(%arg18 : memref<!tpu.dma_semaphore, #tpu.memory_space<semaphore_mem>>)
    %dma_wait3A = tpu.memref_slice %arg2[%and3A_0, %mul3A_4] : memref<8x8192xf32, #tpu.memory_space<hbm>> -> memref<1x2048xf32, #tpu.memory_space<hbm>>
    %dma_wait3A_30 = tpu.memref_squeeze %dma_wait3A : memref<1x2048xf32, #tpu.memory_space<hbm>> -> memref<2048xf32, #tpu.memory_space<hbm>>
    %dma_wait3A_31 = tpu.memref_slice %arg2[%and3A_0, %mul3A_4] : memref<8x8192xf32, #tpu.memory_space<hbm>> -> memref<1x2048xf32, #tpu.memory_space<hbm>>
    %dma_wait3A_32 = tpu.memref_squeeze %dma_wait3A_31 : memref<1x2048xf32, #tpu.memory_space<hbm>> -> memref<2048xf32, #tpu.memory_space<hbm>>
    tpu.wait_dma2 semaphore(%arg18 : memref<!tpu.dma_semaphore, #tpu.memory_space<semaphore_mem>>) src(%dma_wait3A_32 : memref<2048xf32, #tpu.memory_space<hbm>>) dst(%arg10 : memref<2048xf32, #tpu.memory_space<vmem>>)
    %dma_wait3A_33 = tpu.memref_slice %arg5[%mul3A_4] : memref<8192xf32, #tpu.memory_space<hbm>> -> memref<2048xf32, #tpu.memory_space<hbm>>
    %dma_wait3A_34 = tpu.memref_slice %arg5[%mul3A_4] : memref<8192xf32, #tpu.memory_space<hbm>> -> memref<2048xf32, #tpu.memory_space<hbm>>
    tpu.wait_dma2 semaphore(%arg18 : memref<!tpu.dma_semaphore, #tpu.memory_space<semaphore_mem>>) src(%dma_wait3A_34 : memref<2048xf32, #tpu.memory_space<hbm>>) dst(%arg11 : memref<2048xf32, #tpu.memory_space<vmem>>)
    %dma_wait3A_35 = tpu.memref_slice %arg6[%mul3A_4] : memref<8192xf32, #tpu.memory_space<hbm>> -> memref<2048xf32, #tpu.memory_space<hbm>>
    %dma_wait3A_36 = tpu.memref_slice %arg6[%mul3A_4] : memref<8192xf32, #tpu.memory_space<hbm>> -> memref<2048xf32, #tpu.memory_space<hbm>>
    tpu.wait_dma2 semaphore(%arg18 : memref<!tpu.dma_semaphore, #tpu.memory_space<semaphore_mem>>) src(%dma_wait3A_36 : memref<2048xf32, #tpu.memory_space<hbm>>) dst(%arg12 : memref<2048xf32, #tpu.memory_space<vmem>>)
    %dma_wait3A_37 = arith.constant 0 : i32
    %dma_wait3A_38 = tpu.memref_slice %arg3[%and3A_0, %dma_wait3A_37] : memref<8x128xi32, #tpu.memory_space<hbm>> -> memref<1x128xi32, #tpu.memory_space<hbm>>
    %dma_wait3A_39 = tpu.memref_squeeze %dma_wait3A_38 : memref<1x128xi32, #tpu.memory_space<hbm>> -> memref<128xi32, #tpu.memory_space<hbm>>
    %dma_wait3A_40 = arith.constant 0 : i32
    %dma_wait3A_41 = tpu.memref_slice %arg3[%and3A_0, %dma_wait3A_40] : memref<8x128xi32, #tpu.memory_space<hbm>> -> memref<1x128xi32, #tpu.memory_space<hbm>>
    %dma_wait3A_42 = tpu.memref_squeeze %dma_wait3A_41 : memref<1x128xi32, #tpu.memory_space<hbm>> -> memref<128xi32, #tpu.memory_space<hbm>>
    tpu.wait_dma2 semaphore(%arg18 : memref<!tpu.dma_semaphore, #tpu.memory_space<semaphore_mem>>) src(%dma_wait3A_42 : memref<128xi32, #tpu.memory_space<hbm>>) dst(%arg14 : memref<128xi32, #tpu.memory_space<vmem>>)
    %dma_wait3A_43 = arith.constant 0 : i32
    %dma_wait3A_44 = tpu.memref_slice %arg4[%and3A_0, %dma_wait3A_43] : memref<8x128xf32, #tpu.memory_space<hbm>> -> memref<1x128xf32, #tpu.memory_space<hbm>>
    %dma_wait3A_45 = tpu.memref_squeeze %dma_wait3A_44 : memref<1x128xf32, #tpu.memory_space<hbm>> -> memref<128xf32, #tpu.memory_space<hbm>>
    %dma_wait3A_46 = arith.constant 0 : i32
    %dma_wait3A_47 = tpu.memref_slice %arg4[%and3A_0, %dma_wait3A_46] : memref<8x128xf32, #tpu.memory_space<hbm>> -> memref<1x128xf32, #tpu.memory_space<hbm>>
    %dma_wait3A_48 = tpu.memref_squeeze %dma_wait3A_47 : memref<1x128xf32, #tpu.memory_space<hbm>> -> memref<128xf32, #tpu.memory_space<hbm>>
    tpu.wait_dma2 semaphore(%arg18 : memref<!tpu.dma_semaphore, #tpu.memory_space<semaphore_mem>>) src(%dma_wait3A_48 : memref<128xf32, #tpu.memory_space<hbm>>) dst(%arg15 : memref<128xf32, #tpu.memory_space<vmem>>)
    %dma_wait3A_49 = arith.constant 0 : i32
    %dma_wait3A_50 = tpu.memref_slice %arg7[%and3A_0, %dma_wait3A_49] : memref<8x2048xf32, #tpu.memory_space<hbm>> -> memref<1x2048xf32, #tpu.memory_space<hbm>>
    %dma_wait3A_51 = tpu.memref_squeeze %dma_wait3A_50 : memref<1x2048xf32, #tpu.memory_space<hbm>> -> memref<2048xf32, #tpu.memory_space<hbm>>
    %dma_wait3A_52 = arith.constant 0 : i32
    %dma_wait3A_53 = tpu.memref_slice %arg7[%and3A_0, %dma_wait3A_52] : memref<8x2048xf32, #tpu.memory_space<hbm>> -> memref<1x2048xf32, #tpu.memory_space<hbm>>
    %dma_wait3A_54 = tpu.memref_squeeze %dma_wait3A_53 : memref<1x2048xf32, #tpu.memory_space<hbm>> -> memref<2048xf32, #tpu.memory_space<hbm>>
    tpu.wait_dma2 semaphore(%arg18 : memref<!tpu.dma_semaphore, #tpu.memory_space<semaphore_mem>>) src(%dma_wait3A_54 : memref<2048xf32, #tpu.memory_space<hbm>>) dst(%arg13 : memref<2048xf32, #tpu.memory_space<vmem>>)
    %get3A = arith.constant 0 : index
    %get3A_55 = tpu.vector_load %arg14[%get3A] {strides = array<i32>} : memref<128xi32, #tpu.memory_space<vmem>>, vector<16xi32>,
    %get3A_56 = arith.constant 16 : index
    %get3A_57 = tpu.vector_load %arg14[%get3A_56] {strides = array<i32>} : memref<128xi32, #tpu.memory_space<vmem>>, vector<16xi32>,
    %get3A_58 = arith.constant 0 : index
    %get3A_59 = tpu.vector_load %arg15[%get3A_58] {strides = array<i32>} : memref<128xf32, #tpu.memory_space<vmem>>, vector<16xf32>,
    %get3A_60 = arith.constant 16 : index
    %get3A_61 = tpu.vector_load %arg15[%get3A_60] {strides = array<i32>} : memref<128xf32, #tpu.memory_space<vmem>>, vector<16xf32>,
    %get3A_62 = arith.constant 32 : index
    %get3A_63 = tpu.vector_load %arg15[%get3A_62] {strides = array<i32>} : memref<128xf32, #tpu.memory_space<vmem>>, vector<16xf32>,
    %iota3A = tpu.iota {dimensions = array<i32: 0>} : vector<16xi32>
    %eq3A = arith.constant 0 : i32
    %eq3A_64 = arith.cmpi eq, %add3A, %eq3A : i32
    %convert_element_type3A = arith.extui %eq3A_64 : i1 to i32
    %cond3A = arith.constant 0 : i32
    %cond3A_65 = arith.cmpi ne, %convert_element_type3A, %cond3A : i32
    scf.if %cond3A_65 {
      %scan3A = arith.constant 0 : i32
      %scan3A_86 = arith.constant 128 : i32
      %scan3A_87 = arith.addi %scan3A, %scan3A_86 : i32
      %scan3A_88 = arith.constant 1 : i32
      scf.for %scan3A_90 = %scan3A to %scan3A_87 step %scan3A_88  : i32 {
        %mul3A_91 = arith.constant 16 : i32
        %mul3A_92 = arith.muli %scan3A_90, %mul3A_91 : i32
        %add3A_93 = arith.constant 0 : i32
        %add3A_94 = arith.addi %add3A_93, %mul3A_92 : i32
        %get3A_95 = arith.index_cast %add3A_94 : i32 to index
        %get3A_96 = tpu.vector_load %arg10[%get3A_95] {strides = array<i32>} : memref<2048xf32, #tpu.memory_space<vmem>>, vector<16xf32>,
        %bitcast3A = vector.bitcast %get3A_96 : vector<16xf32> to vector<16xi32>
        %shift_right_arithmetic3A = arith.constant 31 : i32
        %shift_right_arithmetic3A_97 = vector.broadcast %shift_right_arithmetic3A : i32 to vector<16xi32>
        %shift_right_arithmetic3A_98 = arith.shrsi %bitcast3A, %shift_right_arithmetic3A_97 : vector<16xi32>
        %and3A_99 = arith.constant 2147483647 : i32
        %and3A_100 = vector.broadcast %and3A_99 : i32 to vector<16xi32>
        %and3A_101 = arith.andi %shift_right_arithmetic3A_98, %and3A_100 : vector<16xi32>
        %xor3A = arith.xori %bitcast3A, %and3A_101 : vector<16xi32>
        %add3A_102 = arith.addi %mul3A_4, %add3A_94 : i32
        %add3A_103 = vector.broadcast %add3A_102 : i32 to vector<16xi32>
        %add3A_104 = arith.addi %iota3A, %add3A_103 : vector<16xi32>
        %gt3A = arith.cmpi sgt, %xor3A, %get3A_55 : vector<16xi32>
        %eq3A_105 = arith.cmpi eq, %xor3A, %get3A_55 : vector<16xi32>
        %le3A = arith.cmpi sle, %add3A_104, %get3A_57 : vector<16xi32>
        %and3A_106 = arith.andi %eq3A_105, %le3A : vector<16xi1>
        %or3A = arith.ori %gt3A, %and3A_106 : vector<16xi1>
        %jit3A = arith.constant 0.000000e+00 : f32
        %broadcast_in_dim3A = vector.broadcast %jit3A : f32 to vector<16xf32>
        %select_n3A = arith.select %or3A, %get3A_96, %broadcast_in_dim3A : vector<16xi1>, vector<16xf32>
        %get3A_107 = arith.index_cast %add3A_94 : i32 to index
        %get3A_108 = tpu.vector_load %arg13[%get3A_107] {strides = array<i32>} : memref<2048xf32, #tpu.memory_space<vmem>>, vector<16xf32>,
        %get3A_109 = arith.index_cast %add3A_94 : i32 to index
        %get3A_110 = tpu.vector_load %arg11[%get3A_109] {strides = array<i32>} : memref<2048xf32, #tpu.memory_space<vmem>>, vector<16xf32>,
        %mul3A_111 = arith.mulf %select_n3A, %get3A_110 : vector<16xf32>
        %mul3A_112 = arith.mulf %get3A_61, %get3A_108 : vector<16xf32>
        %add3A_113 = arith.addf %mul3A_111, %mul3A_112 : vector<16xf32>
        %mul3A_114 = arith.mulf %add3A_113, %get3A_59 : vector<16xf32>
        %swap3A = arith.index_cast %add3A_94 : i32 to index
        %swap3A_115 = tpu.vector_load %arg16[%swap3A] {strides = array<i32>} : memref<2048xf32, #tpu.memory_space<vmem>>, vector<16xf32>,
        tpu.vector_store %arg16[%swap3A], %mul3A_114 {strides = array<i32>} : memref<2048xf32, #tpu.memory_space<vmem>>, vector<16xf32>,
        %get3A_116 = arith.index_cast %add3A_94 : i32 to index
        %get3A_117 = tpu.vector_load %arg12[%get3A_116] {strides = array<i32>} : memref<2048xf32, #tpu.memory_space<vmem>>, vector<16xf32>,
        %mul3A_118 = arith.mulf %select_n3A, %get3A_117 : vector<16xf32>
        %mul3A_119 = arith.mulf %get3A_63, %get3A_108 : vector<16xf32>
        %add3A_120 = arith.addf %mul3A_118, %mul3A_119 : vector<16xf32>
        %mul3A_121 = arith.mulf %add3A_120, %get3A_59 : vector<16xf32>
        %swap3A_122 = arith.index_cast %add3A_94 : i32 to index
        %swap3A_123 = tpu.vector_load %arg17[%swap3A_122] {strides = array<i32>} : memref<2048xf32, #tpu.memory_space<vmem>>, vector<16xf32>,
        tpu.vector_store %arg17[%swap3A_122], %mul3A_121 {strides = array<i32>} : memref<2048xf32, #tpu.memory_space<vmem>>, vector<16xf32>,
      }
      %scan3A_89 = arith.constant 128 : i32
    } else {
    }
    %ne3A = arith.constant 0 : i32
    %ne3A_66 = arith.cmpi ne, %add3A, %ne3A : i32
    %convert_element_type3A_67 = arith.extui %ne3A_66 : i1 to i32
    %cond3A_68 = arith.constant 0 : i32
    %cond3A_69 = arith.cmpi ne, %convert_element_type3A_67, %cond3A_68 : i32
    scf.if %cond3A_69 {
      %scan3A = arith.constant 0 : i32
      %scan3A_86 = arith.constant 128 : i32
      %scan3A_87 = arith.addi %scan3A, %scan3A_86 : i32
      %scan3A_88 = arith.constant 1 : i32
      scf.for %scan3A_90 = %scan3A to %scan3A_87 step %scan3A_88  : i32 {
        %mul3A_91 = arith.constant 16 : i32
        %mul3A_92 = arith.muli %scan3A_90, %mul3A_91 : i32
        %add3A_93 = arith.constant 0 : i32
        %add3A_94 = arith.addi %add3A_93, %mul3A_92 : i32
        %get3A_95 = arith.index_cast %add3A_94 : i32 to index
        %get3A_96 = tpu.vector_load %arg10[%get3A_95] {strides = array<i32>} : memref<2048xf32, #tpu.memory_space<vmem>>, vector<16xf32>,
        %bitcast3A = vector.bitcast %get3A_96 : vector<16xf32> to vector<16xi32>
        %shift_right_arithmetic3A = arith.constant 31 : i32
        %shift_right_arithmetic3A_97 = vector.broadcast %shift_right_arithmetic3A : i32 to vector<16xi32>
        %shift_right_arithmetic3A_98 = arith.shrsi %bitcast3A, %shift_right_arithmetic3A_97 : vector<16xi32>
        %and3A_99 = arith.constant 2147483647 : i32
        %and3A_100 = vector.broadcast %and3A_99 : i32 to vector<16xi32>
        %and3A_101 = arith.andi %shift_right_arithmetic3A_98, %and3A_100 : vector<16xi32>
        %xor3A = arith.xori %bitcast3A, %and3A_101 : vector<16xi32>
        %add3A_102 = arith.addi %mul3A_4, %add3A_94 : i32
        %add3A_103 = vector.broadcast %add3A_102 : i32 to vector<16xi32>
        %add3A_104 = arith.addi %iota3A, %add3A_103 : vector<16xi32>
        %gt3A = arith.cmpi sgt, %xor3A, %get3A_55 : vector<16xi32>
        %eq3A_105 = arith.cmpi eq, %xor3A, %get3A_55 : vector<16xi32>
        %le3A = arith.cmpi sle, %add3A_104, %get3A_57 : vector<16xi32>
        %and3A_106 = arith.andi %eq3A_105, %le3A : vector<16xi1>
        %or3A = arith.ori %gt3A, %and3A_106 : vector<16xi1>
        %jit3A = arith.constant 0.000000e+00 : f32
        %broadcast_in_dim3A = vector.broadcast %jit3A : f32 to vector<16xf32>
        %select_n3A = arith.select %or3A, %get3A_96, %broadcast_in_dim3A : vector<16xi1>, vector<16xf32>
        %get3A_107 = arith.index_cast %add3A_94 : i32 to index
        %get3A_108 = tpu.vector_load %arg11[%get3A_107] {strides = array<i32>} : memref<2048xf32, #tpu.memory_space<vmem>>, vector<16xf32>,
        %mul3A_109 = arith.mulf %select_n3A, %get3A_108 : vector<16xf32>
        %mul3A_110 = arith.mulf %mul3A_109, %get3A_59 : vector<16xf32>
        %swap3A = arith.index_cast %add3A_94 : i32 to index
        %swap3A_111 = tpu.vector_load %arg16[%swap3A] {strides = array<i32>} : memref<2048xf32, #tpu.memory_space<vmem>>, vector<16xf32>,
        tpu.vector_store %arg16[%swap3A], %mul3A_110 {strides = array<i32>} : memref<2048xf32, #tpu.memory_space<vmem>>, vector<16xf32>,
        %get3A_112 = arith.index_cast %add3A_94 : i32 to index
        %get3A_113 = tpu.vector_load %arg12[%get3A_112] {strides = array<i32>} : memref<2048xf32, #tpu.memory_space<vmem>>, vector<16xf32>,
        %mul3A_114 = arith.mulf %select_n3A, %get3A_113 : vector<16xf32>
        %mul3A_115 = arith.mulf %mul3A_114, %get3A_59 : vector<16xf32>
        %swap3A_116 = arith.index_cast %add3A_94 : i32 to index
        %swap3A_117 = tpu.vector_load %arg17[%swap3A_116] {strides = array<i32>} : memref<2048xf32, #tpu.memory_space<vmem>>, vector<16xf32>,
        tpu.vector_store %arg17[%swap3A_116], %mul3A_115 {strides = array<i32>} : memref<2048xf32, #tpu.memory_space<vmem>>, vector<16xf32>,
      }
      %scan3A_89 = arith.constant 128 : i32
    } else {
    }
    %dma_start3A_70 = tpu.memref_slice %arg8[%and3A_0, %mul3A_4] : memref<8x8192xf32, #tpu.memory_space<hbm>> -> memref<1x2048xf32, #tpu.memory_space<hbm>>
    %dma_start3A_71 = tpu.memref_squeeze %dma_start3A_70 : memref<1x2048xf32, #tpu.memory_space<hbm>> -> memref<2048xf32, #tpu.memory_space<hbm>>
    %dma_start3A_72 = tpu.memref_slice %arg8[%and3A_0, %mul3A_4] : memref<8x8192xf32, #tpu.memory_space<hbm>> -> memref<1x2048xf32, #tpu.memory_space<hbm>>
    %dma_start3A_73 = tpu.memref_squeeze %dma_start3A_72 : memref<1x2048xf32, #tpu.memory_space<hbm>> -> memref<2048xf32, #tpu.memory_space<hbm>>
    tpu.enqueue_dma source(%arg16 : memref<2048xf32, #tpu.memory_space<vmem>>) target(%dma_start3A_73 : memref<2048xf32, #tpu.memory_space<hbm>>) target_semaphore(%arg18 : memref<!tpu.dma_semaphore, #tpu.memory_space<semaphore_mem>>)
    %dma_start3A_74 = tpu.memref_slice %arg9[%and3A_0, %mul3A_4] : memref<8x8192xf32, #tpu.memory_space<hbm>> -> memref<1x2048xf32, #tpu.memory_space<hbm>>
    %dma_start3A_75 = tpu.memref_squeeze %dma_start3A_74 : memref<1x2048xf32, #tpu.memory_space<hbm>> -> memref<2048xf32, #tpu.memory_space<hbm>>
    %dma_start3A_76 = tpu.memref_slice %arg9[%and3A_0, %mul3A_4] : memref<8x8192xf32, #tpu.memory_space<hbm>> -> memref<1x2048xf32, #tpu.memory_space<hbm>>
    %dma_start3A_77 = tpu.memref_squeeze %dma_start3A_76 : memref<1x2048xf32, #tpu.memory_space<hbm>> -> memref<2048xf32, #tpu.memory_space<hbm>>
    tpu.enqueue_dma source(%arg17 : memref<2048xf32, #tpu.memory_space<vmem>>) target(%dma_start3A_77 : memref<2048xf32, #tpu.memory_space<hbm>>) target_semaphore(%arg18 : memref<!tpu.dma_semaphore, #tpu.memory_space<semaphore_mem>>)
    %dma_wait3A_78 = tpu.memref_slice %arg8[%and3A_0, %mul3A_4] : memref<8x8192xf32, #tpu.memory_space<hbm>> -> memref<1x2048xf32, #tpu.memory_space<hbm>>
    %dma_wait3A_79 = tpu.memref_squeeze %dma_wait3A_78 : memref<1x2048xf32, #tpu.memory_space<hbm>> -> memref<2048xf32, #tpu.memory_space<hbm>>
    %dma_wait3A_80 = tpu.memref_slice %arg8[%and3A_0, %mul3A_4] : memref<8x8192xf32, #tpu.memory_space<hbm>> -> memref<1x2048xf32, #tpu.memory_space<hbm>>
    %dma_wait3A_81 = tpu.memref_squeeze %dma_wait3A_80 : memref<1x2048xf32, #tpu.memory_space<hbm>> -> memref<2048xf32, #tpu.memory_space<hbm>>
    tpu.wait_dma2 semaphore(%arg18 : memref<!tpu.dma_semaphore, #tpu.memory_space<semaphore_mem>>) src(%arg16 : memref<2048xf32, #tpu.memory_space<vmem>>) dst(%dma_wait3A_81 : memref<2048xf32, #tpu.memory_space<hbm>>)
    %dma_wait3A_82 = tpu.memref_slice %arg9[%and3A_0, %mul3A_4] : memref<8x8192xf32, #tpu.memory_space<hbm>> -> memref<1x2048xf32, #tpu.memory_space<hbm>>
    %dma_wait3A_83 = tpu.memref_squeeze %dma_wait3A_82 : memref<1x2048xf32, #tpu.memory_space<hbm>> -> memref<2048xf32, #tpu.memory_space<hbm>>
    %dma_wait3A_84 = tpu.memref_slice %arg9[%and3A_0, %mul3A_4] : memref<8x8192xf32, #tpu.memory_space<hbm>> -> memref<1x2048xf32, #tpu.memory_space<hbm>>
    %dma_wait3A_85 = tpu.memref_squeeze %dma_wait3A_84 : memref<1x2048xf32, #tpu.memory_space<hbm>> -> memref<2048xf32, #tpu.memory_space<hbm>>
    tpu.wait_dma2 semaphore(%arg18 : memref<!tpu.dma_semaphore, #tpu.memory_space<semaphore_mem>>) src(%arg17 : memref<2048xf32, #tpu.memory_space<vmem>>) dst(%dma_wait3A_85 : memref<2048xf32, #tpu.memory_space<hbm>>)
    return
  }
}

module attributes {stable_mosaic.version = 14 : i64} {
  func.func @_tc_body(%arg0: i32, %arg1: memref<8x2048xf32, #tpu.memory_space<vmem>>, %arg2: memref<512x2048xf32, #tpu.memory_space<vmem>>, %arg3: memref<512x2048xf32, #tpu.memory_space<vmem>>, %arg4: memref<1x8192xf32, #tpu.memory_space<vmem>>, %arg5: memref<1x1xf32, #tpu.memory_space<smem>>, %arg6: memref<1x1xf32, #tpu.memory_space<smem>>, %arg7: memref<8x8192xf32, #tpu.memory_space<vmem>>, %arg8: memref<8x128xi32, #tpu.memory_space<vmem>>, %arg9: memref<8x128xf32, #tpu.memory_space<vmem>>, %arg10: memref<1x8192xf32, #tpu.memory_space<vmem>>, %arg11: memref<1x8192xf32, #tpu.memory_space<vmem>>, %arg12: memref<8x1xi32, #tpu.memory_space<vmem>>) attributes {dimension_semantics = [#tpu.dimension_semantics<arbitrary>], iteration_bounds = array<i64: 16>, scalar_prefetch = 0 : i64, scratch_operands = 1 : i64, tpu.core_type = #tpu.core_type<tc>, window_params = [{pipeline_mode = #tpu.pipeline_mode<synchronous>, transform_indices = @transform_0, window_bounds = array<i64: 8, 2048>}, {transform_indices = @transform_1, window_bounds = array<i64: 512, 2048>}, {transform_indices = @transform_2, window_bounds = array<i64: 512, 2048>}, {pipeline_mode = #tpu.pipeline_mode<synchronous>, transform_indices = @transform_3, window_bounds = array<i64: 1, 8192>}, {transform_indices = @transform_4, window_bounds = array<i64: 1, 1>}, {transform_indices = @transform_5, window_bounds = array<i64: 1, 1>}, {pipeline_mode = #tpu.pipeline_mode<synchronous>, transform_indices = @transform_6, window_bounds = array<i64: 8, 8192>}, {pipeline_mode = #tpu.pipeline_mode<synchronous>, transform_indices = @transform_7, window_bounds = array<i64: 8, 128>}, {pipeline_mode = #tpu.pipeline_mode<synchronous>, transform_indices = @transform_8, window_bounds = array<i64: 8, 128>}, {pipeline_mode = #tpu.pipeline_mode<synchronous>, transform_indices = @transform_9, window_bounds = array<i64: 1, 8192>}, {pipeline_mode = #tpu.pipeline_mode<synchronous>, transform_indices = @transform_10, window_bounds = array<i64: 1, 8192>}]} {
    %get3A = arith.constant 0 : index
    %get3A_0 = arith.constant 0 : index
    %get3A_1 = vector.load %arg2[%get3A, %get3A_0] : memref<512x2048xf32, #tpu.memory_space<vmem>>, vector<512x2048xf32>
    %get3A_2 = arith.constant 0 : index
    %get3A_3 = arith.constant 0 : index
    %get3A_4 = vector.load %arg3[%get3A_2, %get3A_3] : memref<512x2048xf32, #tpu.memory_space<vmem>>, vector<512x2048xf32>
    %mul3A = arith.mulf %get3A_1, %get3A_1 : vector<512x2048xf32>
    %mul3A_5 = arith.mulf %get3A_4, %get3A_4 : vector<512x2048xf32>
    %add3A = arith.addf %mul3A, %mul3A_5 : vector<512x2048xf32>
    %reduce_sum3A = arith.constant dense<0.000000e+00> : vector<512xf32>
    %reduce_sum3A_6 = vector.multi_reduction <add>, %add3A, %reduce_sum3A [1] : vector<512x2048xf32> to vector<512xf32>
    %broadcast_in_dim3A = vector.shape_cast %reduce_sum3A_6 : vector<512xf32> to vector<512x1xf32>
    %sqrt3A = math.sqrt %broadcast_in_dim3A : vector<512x1xf32>
    %max3A = arith.constant 9.99999996E-13 : f32
    %max3A_7 = vector.broadcast %max3A : f32 to vector<512x1xf32>
    %max3A_8 = arith.maximumf %sqrt3A, %max3A_7 : vector<512x1xf32>
    %div3A = vector.broadcast %max3A_8 : vector<512x1xf32> to vector<512x2048xf32>
    %div3A_9 = arith.divf %get3A_1, %div3A : vector<512x2048xf32>
    %get3A_10 = arith.constant 0 : index
    %get3A_11 = arith.constant 0 : index
    %get3A_12 = vector.load %arg1[%get3A_10, %get3A_11] : memref<8x2048xf32, #tpu.memory_space<vmem>>, vector<8x2048xf32>
    %dot_general3A = arith.constant dense<0.000000e+00> : vector<8x512xf32>
    %dot_general3A_13 = tpu.matmul %get3A_12, %div3A_9, %dot_general3A {dimension_numbers = #tpu.dot_dimension_numbers<[1], [1], [0], [0], [0, 0, 1, 0], [], []>, transpose_lhs_hint = false} : vector<8x2048xf32>, vector<512x2048xf32>, vector<8x512xf32> -> vector<8x512xf32>
    %mul3A_14 = arith.constant 512 : i32
    %mul3A_15 = arith.muli %arg0, %mul3A_14 : i32
    %multiple_of3A = tpu.assume_multiple %mul3A_15, 512 : i32
    %swap3A = arith.constant 0 : index
    %swap3A_16 = arith.index_cast %multiple_of3A : i32 to index
    %swap3A_17 = vector.load %arg7[%swap3A, %swap3A_16] : memref<8x8192xf32, #tpu.memory_space<vmem>>, vector<8x512xf32>
    tpu.vector_store %arg7[%swap3A, %swap3A_16], %dot_general3A_13 {strides = array<i32>} : memref<8x8192xf32, #tpu.memory_space<vmem>>, vector<8x512xf32>,
    %eq3A = arith.constant 0 : i32
    %eq3A_18 = arith.cmpi eq, %arg0, %eq3A : i32
    %convert_element_type3A = arith.extui %eq3A_18 : i1 to i32
    %cond3A = arith.constant 0 : i32
    %cond3A_19 = arith.cmpi ne, %convert_element_type3A, %cond3A : i32
    scf.if %cond3A_19 {
      %get3A_25 = arith.constant 0 : index
      %get3A_26 = arith.constant 0 : index
      %get3A_27 = vector.load %arg4[%get3A_25, %get3A_26] : memref<1x8192xf32, #tpu.memory_space<vmem>>, vector<1x8192xf32>
      %cos3A = math.cos %get3A_27 : vector<1x8192xf32>
      %swap3A_28 = arith.constant 0 : index
      %swap3A_29 = arith.constant 0 : index
      %swap3A_30 = vector.load %arg10[%swap3A_28, %swap3A_29] : memref<1x8192xf32, #tpu.memory_space<vmem>>, vector<1x8192xf32>
      tpu.vector_store %arg10[%swap3A_28, %swap3A_29], %cos3A {strides = array<i32>} : memref<1x8192xf32, #tpu.memory_space<vmem>>, vector<1x8192xf32>,
      %sin3A = math.sin %get3A_27 : vector<1x8192xf32>
      %swap3A_31 = arith.constant 0 : index
      %swap3A_32 = arith.constant 0 : index
      %swap3A_33 = vector.load %arg11[%swap3A_31, %swap3A_32] : memref<1x8192xf32, #tpu.memory_space<vmem>>, vector<1x8192xf32>
      tpu.vector_store %arg11[%swap3A_31, %swap3A_32], %sin3A {strides = array<i32>} : memref<1x8192xf32, #tpu.memory_space<vmem>>, vector<1x8192xf32>,
    } else {
    }
    %eq3A_20 = arith.constant 15 : i32
    %eq3A_21 = arith.cmpi eq, %arg0, %eq3A_20 : i32
    %convert_element_type3A_22 = arith.extui %eq3A_21 : i1 to i32
    %cond3A_23 = arith.constant 0 : i32
    %cond3A_24 = arith.cmpi ne, %convert_element_type3A_22, %cond3A_23 : i32
    scf.if %cond3A_24 {
      %get3A_25 = arith.constant 0 : index
      %get3A_26 = arith.constant 0 : index
      %get3A_27 = vector.load %arg7[%get3A_25, %get3A_26] : memref<8x8192xf32, #tpu.memory_space<vmem>>, vector<8x8192xf32>
      %bitcast_convert_type3A = tpu.bitcast %get3A_27 : vector<8x8192xf32> -> vector<8x8192xi32>
      %shift_right_arithmetic3A = arith.constant 31 : i32
      %shift_right_arithmetic3A_28 = vector.broadcast %shift_right_arithmetic3A : i32 to vector<8x8192xi32>
      %shift_right_arithmetic3A_29 = arith.shrsi %bitcast_convert_type3A, %shift_right_arithmetic3A_28 : vector<8x8192xi32>
      %and3A = arith.constant 2147483647 : i32
      %and3A_30 = vector.broadcast %and3A : i32 to vector<8x8192xi32>
      %and3A_31 = arith.andi %shift_right_arithmetic3A_29, %and3A_30 : vector<8x8192xi32>
      %xor3A = arith.xori %bitcast_convert_type3A, %and3A_31 : vector<8x8192xi32>
      %broadcast_in_dim3A_32 = arith.constant 0 : i32
      %broadcast_in_dim3A_33 = vector.broadcast %broadcast_in_dim3A_32 : i32 to vector<8x1xi32>
      %or3A = arith.constant -2147483648 : i32
      %or3A_34 = vector.broadcast %or3A : i32 to vector<8x1xi32>
      %or3A_35 = arith.ori %broadcast_in_dim3A_33, %or3A_34 : vector<8x1xi32>
      %xor3A_36 = arith.constant -2147483648 : i32
      %xor3A_37 = vector.broadcast %xor3A_36 : i32 to vector<8x1xi32>
      %xor3A_38 = arith.xori %or3A_35, %xor3A_37 : vector<8x1xi32>
      %ge3A = vector.broadcast %xor3A_38 : vector<8x1xi32> to vector<8x8192xi32>
      %ge3A_39 = arith.cmpi sge, %xor3A, %ge3A : vector<8x8192xi32>
      %convert_element_type3A_40 = arith.extui %ge3A_39 : vector<8x8192xi1> to vector<8x8192xi32>
      %reduce_sum3A_41 = arith.constant dense<0> : vector<8xi32>
      %reduce_sum3A_42 = vector.multi_reduction <add>, %convert_element_type3A_40, %reduce_sum3A_41 [1] : vector<8x8192xi32> to vector<8xi32>
      %broadcast_in_dim3A_43 = vector.shape_cast %reduce_sum3A_42 : vector<8xi32> to vector<8x1xi32>
      %ge3A_44 = arith.constant 81 : i32
      %ge3A_45 = vector.broadcast %ge3A_44 : i32 to vector<8x1xi32>
      %ge3A_46 = arith.cmpi sge, %broadcast_in_dim3A_43, %ge3A_45 : vector<8x1xi32>
      %select_n3A = arith.select %ge3A_46, %or3A_35, %broadcast_in_dim3A_33 : vector<8x1xi1>, vector<8x1xi32>
      %or3A_47 = arith.constant 1073741824 : i32
      %or3A_48 = vector.broadcast %or3A_47 : i32 to vector<8x1xi32>
      %or3A_49 = arith.ori %select_n3A, %or3A_48 : vector<8x1xi32>
      %xor3A_50 = arith.constant -2147483648 : i32
      %xor3A_51 = vector.broadcast %xor3A_50 : i32 to vector<8x1xi32>
      %xor3A_52 = arith.xori %or3A_49, %xor3A_51 : vector<8x1xi32>
      %ge3A_53 = vector.broadcast %xor3A_52 : vector<8x1xi32> to vector<8x8192xi32>
      %ge3A_54 = arith.cmpi sge, %xor3A, %ge3A_53 : vector<8x8192xi32>
      %convert_element_type3A_55 = arith.extui %ge3A_54 : vector<8x8192xi1> to vector<8x8192xi32>
      %reduce_sum3A_56 = arith.constant dense<0> : vector<8xi32>
      %reduce_sum3A_57 = vector.multi_reduction <add>, %convert_element_type3A_55, %reduce_sum3A_56 [1] : vector<8x8192xi32> to vector<8xi32>
      %broadcast_in_dim3A_58 = vector.shape_cast %reduce_sum3A_57 : vector<8xi32> to vector<8x1xi32>
      %ge3A_59 = arith.constant 81 : i32
      %ge3A_60 = vector.broadcast %ge3A_59 : i32 to vector<8x1xi32>
      %ge3A_61 = arith.cmpi sge, %broadcast_in_dim3A_58, %ge3A_60 : vector<8x1xi32>
      %select_n3A_62 = arith.select %ge3A_61, %or3A_49, %select_n3A : vector<8x1xi1>, vector<8x1xi32>
      %or3A_63 = arith.constant 536870912 : i32
      %or3A_64 = vector.broadcast %or3A_63 : i32 to vector<8x1xi32>
      %or3A_65 = arith.ori %select_n3A_62, %or3A_64 : vector<8x1xi32>
      %xor3A_66 = arith.constant -2147483648 : i32
      %xor3A_67 = vector.broadcast %xor3A_66 : i32 to vector<8x1xi32>
      %xor3A_68 = arith.xori %or3A_65, %xor3A_67 : vector<8x1xi32>
      %ge3A_69 = vector.broadcast %xor3A_68 : vector<8x1xi32> to vector<8x8192xi32>
      %ge3A_70 = arith.cmpi sge, %xor3A, %ge3A_69 : vector<8x8192xi32>
      %convert_element_type3A_71 = arith.extui %ge3A_70 : vector<8x8192xi1> to vector<8x8192xi32>
      %reduce_sum3A_72 = arith.constant dense<0> : vector<8xi32>
      %reduce_sum3A_73 = vector.multi_reduction <add>, %convert_element_type3A_71, %reduce_sum3A_72 [1] : vector<8x8192xi32> to vector<8xi32>
      %broadcast_in_dim3A_74 = vector.shape_cast %reduce_sum3A_73 : vector<8xi32> to vector<8x1xi32>
      %ge3A_75 = arith.constant 81 : i32
      %ge3A_76 = vector.broadcast %ge3A_75 : i32 to vector<8x1xi32>
      %ge3A_77 = arith.cmpi sge, %broadcast_in_dim3A_74, %ge3A_76 : vector<8x1xi32>
      %select_n3A_78 = arith.select %ge3A_77, %or3A_65, %select_n3A_62 : vector<8x1xi1>, vector<8x1xi32>
      %or3A_79 = arith.constant 268435456 : i32
      %or3A_80 = vector.broadcast %or3A_79 : i32 to vector<8x1xi32>
      %or3A_81 = arith.ori %select_n3A_78, %or3A_80 : vector<8x1xi32>
      %xor3A_82 = arith.constant -2147483648 : i32
      %xor3A_83 = vector.broadcast %xor3A_82 : i32 to vector<8x1xi32>
      %xor3A_84 = arith.xori %or3A_81, %xor3A_83 : vector<8x1xi32>
      %ge3A_85 = vector.broadcast %xor3A_84 : vector<8x1xi32> to vector<8x8192xi32>
      %ge3A_86 = arith.cmpi sge, %xor3A, %ge3A_85 : vector<8x8192xi32>
      %convert_element_type3A_87 = arith.extui %ge3A_86 : vector<8x8192xi1> to vector<8x8192xi32>
      %reduce_sum3A_88 = arith.constant dense<0> : vector<8xi32>
      %reduce_sum3A_89 = vector.multi_reduction <add>, %convert_element_type3A_87, %reduce_sum3A_88 [1] : vector<8x8192xi32> to vector<8xi32>
      %broadcast_in_dim3A_90 = vector.shape_cast %reduce_sum3A_89 : vector<8xi32> to vector<8x1xi32>
      %ge3A_91 = arith.constant 81 : i32
      %ge3A_92 = vector.broadcast %ge3A_91 : i32 to vector<8x1xi32>
      %ge3A_93 = arith.cmpi sge, %broadcast_in_dim3A_90, %ge3A_92 : vector<8x1xi32>
      %select_n3A_94 = arith.select %ge3A_93, %or3A_81, %select_n3A_78 : vector<8x1xi1>, vector<8x1xi32>
      %or3A_95 = arith.constant 134217728 : i32
      %or3A_96 = vector.broadcast %or3A_95 : i32 to vector<8x1xi32>
      %or3A_97 = arith.ori %select_n3A_94, %or3A_96 : vector<8x1xi32>
      %xor3A_98 = arith.constant -2147483648 : i32
      %xor3A_99 = vector.broadcast %xor3A_98 : i32 to vector<8x1xi32>
      %xor3A_100 = arith.xori %or3A_97, %xor3A_99 : vector<8x1xi32>
      %ge3A_101 = vector.broadcast %xor3A_100 : vector<8x1xi32> to vector<8x8192xi32>
      %ge3A_102 = arith.cmpi sge, %xor3A, %ge3A_101 : vector<8x8192xi32>
      %convert_element_type3A_103 = arith.extui %ge3A_102 : vector<8x8192xi1> to vector<8x8192xi32>
      %reduce_sum3A_104 = arith.constant dense<0> : vector<8xi32>
      %reduce_sum3A_105 = vector.multi_reduction <add>, %convert_element_type3A_103, %reduce_sum3A_104 [1] : vector<8x8192xi32> to vector<8xi32>
      %broadcast_in_dim3A_106 = vector.shape_cast %reduce_sum3A_105 : vector<8xi32> to vector<8x1xi32>
      %ge3A_107 = arith.constant 81 : i32
      %ge3A_108 = vector.broadcast %ge3A_107 : i32 to vector<8x1xi32>
      %ge3A_109 = arith.cmpi sge, %broadcast_in_dim3A_106, %ge3A_108 : vector<8x1xi32>
      %select_n3A_110 = arith.select %ge3A_109, %or3A_97, %select_n3A_94 : vector<8x1xi1>, vector<8x1xi32>
      %or3A_111 = arith.constant 67108864 : i32
      %or3A_112 = vector.broadcast %or3A_111 : i32 to vector<8x1xi32>
      %or3A_113 = arith.ori %select_n3A_110, %or3A_112 : vector<8x1xi32>
      %xor3A_114 = arith.constant -2147483648 : i32
      %xor3A_115 = vector.broadcast %xor3A_114 : i32 to vector<8x1xi32>
      %xor3A_116 = arith.xori %or3A_113, %xor3A_115 : vector<8x1xi32>
      %ge3A_117 = vector.broadcast %xor3A_116 : vector<8x1xi32> to vector<8x8192xi32>
      %ge3A_118 = arith.cmpi sge, %xor3A, %ge3A_117 : vector<8x8192xi32>
      %convert_element_type3A_119 = arith.extui %ge3A_118 : vector<8x8192xi1> to vector<8x8192xi32>
      %reduce_sum3A_120 = arith.constant dense<0> : vector<8xi32>
      %reduce_sum3A_121 = vector.multi_reduction <add>, %convert_element_type3A_119, %reduce_sum3A_120 [1] : vector<8x8192xi32> to vector<8xi32>
      %broadcast_in_dim3A_122 = vector.shape_cast %reduce_sum3A_121 : vector<8xi32> to vector<8x1xi32>
      %ge3A_123 = arith.constant 81 : i32
      %ge3A_124 = vector.broadcast %ge3A_123 : i32 to vector<8x1xi32>
      %ge3A_125 = arith.cmpi sge, %broadcast_in_dim3A_122, %ge3A_124 : vector<8x1xi32>
      %select_n3A_126 = arith.select %ge3A_125, %or3A_113, %select_n3A_110 : vector<8x1xi1>, vector<8x1xi32>
      %or3A_127 = arith.constant 33554432 : i32
      %or3A_128 = vector.broadcast %or3A_127 : i32 to vector<8x1xi32>
      %or3A_129 = arith.ori %select_n3A_126, %or3A_128 : vector<8x1xi32>
      %xor3A_130 = arith.constant -2147483648 : i32
      %xor3A_131 = vector.broadcast %xor3A_130 : i32 to vector<8x1xi32>
      %xor3A_132 = arith.xori %or3A_129, %xor3A_131 : vector<8x1xi32>
      %ge3A_133 = vector.broadcast %xor3A_132 : vector<8x1xi32> to vector<8x8192xi32>
      %ge3A_134 = arith.cmpi sge, %xor3A, %ge3A_133 : vector<8x8192xi32>
      %convert_element_type3A_135 = arith.extui %ge3A_134 : vector<8x8192xi1> to vector<8x8192xi32>
      %reduce_sum3A_136 = arith.constant dense<0> : vector<8xi32>
      %reduce_sum3A_137 = vector.multi_reduction <add>, %convert_element_type3A_135, %reduce_sum3A_136 [1] : vector<8x8192xi32> to vector<8xi32>
      %broadcast_in_dim3A_138 = vector.shape_cast %reduce_sum3A_137 : vector<8xi32> to vector<8x1xi32>
      %ge3A_139 = arith.constant 81 : i32
      %ge3A_140 = vector.broadcast %ge3A_139 : i32 to vector<8x1xi32>
      %ge3A_141 = arith.cmpi sge, %broadcast_in_dim3A_138, %ge3A_140 : vector<8x1xi32>
      %select_n3A_142 = arith.select %ge3A_141, %or3A_129, %select_n3A_126 : vector<8x1xi1>, vector<8x1xi32>
      %or3A_143 = arith.constant 16777216 : i32
      %or3A_144 = vector.broadcast %or3A_143 : i32 to vector<8x1xi32>
      %or3A_145 = arith.ori %select_n3A_142, %or3A_144 : vector<8x1xi32>
      %xor3A_146 = arith.constant -2147483648 : i32
      %xor3A_147 = vector.broadcast %xor3A_146 : i32 to vector<8x1xi32>
      %xor3A_148 = arith.xori %or3A_145, %xor3A_147 : vector<8x1xi32>
      %ge3A_149 = vector.broadcast %xor3A_148 : vector<8x1xi32> to vector<8x8192xi32>
      %ge3A_150 = arith.cmpi sge, %xor3A, %ge3A_149 : vector<8x8192xi32>
      %convert_element_type3A_151 = arith.extui %ge3A_150 : vector<8x8192xi1> to vector<8x8192xi32>
      %reduce_sum3A_152 = arith.constant dense<0> : vector<8xi32>
      %reduce_sum3A_153 = vector.multi_reduction <add>, %convert_element_type3A_151, %reduce_sum3A_152 [1] : vector<8x8192xi32> to vector<8xi32>
      %broadcast_in_dim3A_154 = vector.shape_cast %reduce_sum3A_153 : vector<8xi32> to vector<8x1xi32>
      %ge3A_155 = arith.constant 81 : i32
      %ge3A_156 = vector.broadcast %ge3A_155 : i32 to vector<8x1xi32>
      %ge3A_157 = arith.cmpi sge, %broadcast_in_dim3A_154, %ge3A_156 : vector<8x1xi32>
      %select_n3A_158 = arith.select %ge3A_157, %or3A_145, %select_n3A_142 : vector<8x1xi1>, vector<8x1xi32>
      %or3A_159 = arith.constant 8388608 : i32
      %or3A_160 = vector.broadcast %or3A_159 : i32 to vector<8x1xi32>
      %or3A_161 = arith.ori %select_n3A_158, %or3A_160 : vector<8x1xi32>
      %xor3A_162 = arith.constant -2147483648 : i32
      %xor3A_163 = vector.broadcast %xor3A_162 : i32 to vector<8x1xi32>
      %xor3A_164 = arith.xori %or3A_161, %xor3A_163 : vector<8x1xi32>
      %ge3A_165 = vector.broadcast %xor3A_164 : vector<8x1xi32> to vector<8x8192xi32>
      %ge3A_166 = arith.cmpi sge, %xor3A, %ge3A_165 : vector<8x8192xi32>
      %convert_element_type3A_167 = arith.extui %ge3A_166 : vector<8x8192xi1> to vector<8x8192xi32>
      %reduce_sum3A_168 = arith.constant dense<0> : vector<8xi32>
      %reduce_sum3A_169 = vector.multi_reduction <add>, %convert_element_type3A_167, %reduce_sum3A_168 [1] : vector<8x8192xi32> to vector<8xi32>
      %broadcast_in_dim3A_170 = vector.shape_cast %reduce_sum3A_169 : vector<8xi32> to vector<8x1xi32>
      %ge3A_171 = arith.constant 81 : i32
      %ge3A_172 = vector.broadcast %ge3A_171 : i32 to vector<8x1xi32>
      %ge3A_173 = arith.cmpi sge, %broadcast_in_dim3A_170, %ge3A_172 : vector<8x1xi32>
      %select_n3A_174 = arith.select %ge3A_173, %or3A_161, %select_n3A_158 : vector<8x1xi1>, vector<8x1xi32>
      %or3A_175 = arith.constant 4194304 : i32
      %or3A_176 = vector.broadcast %or3A_175 : i32 to vector<8x1xi32>
      %or3A_177 = arith.ori %select_n3A_174, %or3A_176 : vector<8x1xi32>
      %xor3A_178 = arith.constant -2147483648 : i32
      %xor3A_179 = vector.broadcast %xor3A_178 : i32 to vector<8x1xi32>
      %xor3A_180 = arith.xori %or3A_177, %xor3A_179 : vector<8x1xi32>
      %ge3A_181 = vector.broadcast %xor3A_180 : vector<8x1xi32> to vector<8x8192xi32>
      %ge3A_182 = arith.cmpi sge, %xor3A, %ge3A_181 : vector<8x8192xi32>
      %convert_element_type3A_183 = arith.extui %ge3A_182 : vector<8x8192xi1> to vector<8x8192xi32>
      %reduce_sum3A_184 = arith.constant dense<0> : vector<8xi32>
      %reduce_sum3A_185 = vector.multi_reduction <add>, %convert_element_type3A_183, %reduce_sum3A_184 [1] : vector<8x8192xi32> to vector<8xi32>
      %broadcast_in_dim3A_186 = vector.shape_cast %reduce_sum3A_185 : vector<8xi32> to vector<8x1xi32>
      %ge3A_187 = arith.constant 81 : i32
      %ge3A_188 = vector.broadcast %ge3A_187 : i32 to vector<8x1xi32>
      %ge3A_189 = arith.cmpi sge, %broadcast_in_dim3A_186, %ge3A_188 : vector<8x1xi32>
      %select_n3A_190 = arith.select %ge3A_189, %or3A_177, %select_n3A_174 : vector<8x1xi1>, vector<8x1xi32>
      %or3A_191 = arith.constant 2097152 : i32
      %or3A_192 = vector.broadcast %or3A_191 : i32 to vector<8x1xi32>
      %or3A_193 = arith.ori %select_n3A_190, %or3A_192 : vector<8x1xi32>
      %xor3A_194 = arith.constant -2147483648 : i32
      %xor3A_195 = vector.broadcast %xor3A_194 : i32 to vector<8x1xi32>
      %xor3A_196 = arith.xori %or3A_193, %xor3A_195 : vector<8x1xi32>
      %ge3A_197 = vector.broadcast %xor3A_196 : vector<8x1xi32> to vector<8x8192xi32>
      %ge3A_198 = arith.cmpi sge, %xor3A, %ge3A_197 : vector<8x8192xi32>
      %convert_element_type3A_199 = arith.extui %ge3A_198 : vector<8x8192xi1> to vector<8x8192xi32>
      %reduce_sum3A_200 = arith.constant dense<0> : vector<8xi32>
      %reduce_sum3A_201 = vector.multi_reduction <add>, %convert_element_type3A_199, %reduce_sum3A_200 [1] : vector<8x8192xi32> to vector<8xi32>
      %broadcast_in_dim3A_202 = vector.shape_cast %reduce_sum3A_201 : vector<8xi32> to vector<8x1xi32>
      %ge3A_203 = arith.constant 81 : i32
      %ge3A_204 = vector.broadcast %ge3A_203 : i32 to vector<8x1xi32>
      %ge3A_205 = arith.cmpi sge, %broadcast_in_dim3A_202, %ge3A_204 : vector<8x1xi32>
      %select_n3A_206 = arith.select %ge3A_205, %or3A_193, %select_n3A_190 : vector<8x1xi1>, vector<8x1xi32>
      %or3A_207 = arith.constant 1048576 : i32
      %or3A_208 = vector.broadcast %or3A_207 : i32 to vector<8x1xi32>
      %or3A_209 = arith.ori %select_n3A_206, %or3A_208 : vector<8x1xi32>
      %xor3A_210 = arith.constant -2147483648 : i32
      %xor3A_211 = vector.broadcast %xor3A_210 : i32 to vector<8x1xi32>
      %xor3A_212 = arith.xori %or3A_209, %xor3A_211 : vector<8x1xi32>
      %ge3A_213 = vector.broadcast %xor3A_212 : vector<8x1xi32> to vector<8x8192xi32>
      %ge3A_214 = arith.cmpi sge, %xor3A, %ge3A_213 : vector<8x8192xi32>
      %convert_element_type3A_215 = arith.extui %ge3A_214 : vector<8x8192xi1> to vector<8x8192xi32>
      %reduce_sum3A_216 = arith.constant dense<0> : vector<8xi32>
      %reduce_sum3A_217 = vector.multi_reduction <add>, %convert_element_type3A_215, %reduce_sum3A_216 [1] : vector<8x8192xi32> to vector<8xi32>
      %broadcast_in_dim3A_218 = vector.shape_cast %reduce_sum3A_217 : vector<8xi32> to vector<8x1xi32>
      %ge3A_219 = arith.constant 81 : i32
      %ge3A_220 = vector.broadcast %ge3A_219 : i32 to vector<8x1xi32>
      %ge3A_221 = arith.cmpi sge, %broadcast_in_dim3A_218, %ge3A_220 : vector<8x1xi32>
      %select_n3A_222 = arith.select %ge3A_221, %or3A_209, %select_n3A_206 : vector<8x1xi1>, vector<8x1xi32>
      %or3A_223 = arith.constant 524288 : i32
      %or3A_224 = vector.broadcast %or3A_223 : i32 to vector<8x1xi32>
      %or3A_225 = arith.ori %select_n3A_222, %or3A_224 : vector<8x1xi32>
      %xor3A_226 = arith.constant -2147483648 : i32
      %xor3A_227 = vector.broadcast %xor3A_226 : i32 to vector<8x1xi32>
      %xor3A_228 = arith.xori %or3A_225, %xor3A_227 : vector<8x1xi32>
      %ge3A_229 = vector.broadcast %xor3A_228 : vector<8x1xi32> to vector<8x8192xi32>
      %ge3A_230 = arith.cmpi sge, %xor3A, %ge3A_229 : vector<8x8192xi32>
      %convert_element_type3A_231 = arith.extui %ge3A_230 : vector<8x8192xi1> to vector<8x8192xi32>
      %reduce_sum3A_232 = arith.constant dense<0> : vector<8xi32>
      %reduce_sum3A_233 = vector.multi_reduction <add>, %convert_element_type3A_231, %reduce_sum3A_232 [1] : vector<8x8192xi32> to vector<8xi32>
      %broadcast_in_dim3A_234 = vector.shape_cast %reduce_sum3A_233 : vector<8xi32> to vector<8x1xi32>
      %ge3A_235 = arith.constant 81 : i32
      %ge3A_236 = vector.broadcast %ge3A_235 : i32 to vector<8x1xi32>
      %ge3A_237 = arith.cmpi sge, %broadcast_in_dim3A_234, %ge3A_236 : vector<8x1xi32>
      %select_n3A_238 = arith.select %ge3A_237, %or3A_225, %select_n3A_222 : vector<8x1xi1>, vector<8x1xi32>
      %or3A_239 = arith.constant 262144 : i32
      %or3A_240 = vector.broadcast %or3A_239 : i32 to vector<8x1xi32>
      %or3A_241 = arith.ori %select_n3A_238, %or3A_240 : vector<8x1xi32>
      %xor3A_242 = arith.constant -2147483648 : i32
      %xor3A_243 = vector.broadcast %xor3A_242 : i32 to vector<8x1xi32>
      %xor3A_244 = arith.xori %or3A_241, %xor3A_243 : vector<8x1xi32>
      %ge3A_245 = vector.broadcast %xor3A_244 : vector<8x1xi32> to vector<8x8192xi32>
      %ge3A_246 = arith.cmpi sge, %xor3A, %ge3A_245 : vector<8x8192xi32>
      %convert_element_type3A_247 = arith.extui %ge3A_246 : vector<8x8192xi1> to vector<8x8192xi32>
      %reduce_sum3A_248 = arith.constant dense<0> : vector<8xi32>
      %reduce_sum3A_249 = vector.multi_reduction <add>, %convert_element_type3A_247, %reduce_sum3A_248 [1] : vector<8x8192xi32> to vector<8xi32>
      %broadcast_in_dim3A_250 = vector.shape_cast %reduce_sum3A_249 : vector<8xi32> to vector<8x1xi32>
      %ge3A_251 = arith.constant 81 : i32
      %ge3A_252 = vector.broadcast %ge3A_251 : i32 to vector<8x1xi32>
      %ge3A_253 = arith.cmpi sge, %broadcast_in_dim3A_250, %ge3A_252 : vector<8x1xi32>
      %select_n3A_254 = arith.select %ge3A_253, %or3A_241, %select_n3A_238 : vector<8x1xi1>, vector<8x1xi32>
      %or3A_255 = arith.constant 131072 : i32
      %or3A_256 = vector.broadcast %or3A_255 : i32 to vector<8x1xi32>
      %or3A_257 = arith.ori %select_n3A_254, %or3A_256 : vector<8x1xi32>
      %xor3A_258 = arith.constant -2147483648 : i32
      %xor3A_259 = vector.broadcast %xor3A_258 : i32 to vector<8x1xi32>
      %xor3A_260 = arith.xori %or3A_257, %xor3A_259 : vector<8x1xi32>
      %ge3A_261 = vector.broadcast %xor3A_260 : vector<8x1xi32> to vector<8x8192xi32>
      %ge3A_262 = arith.cmpi sge, %xor3A, %ge3A_261 : vector<8x8192xi32>
      %convert_element_type3A_263 = arith.extui %ge3A_262 : vector<8x8192xi1> to vector<8x8192xi32>
      %reduce_sum3A_264 = arith.constant dense<0> : vector<8xi32>
      %reduce_sum3A_265 = vector.multi_reduction <add>, %convert_element_type3A_263, %reduce_sum3A_264 [1] : vector<8x8192xi32> to vector<8xi32>
      %broadcast_in_dim3A_266 = vector.shape_cast %reduce_sum3A_265 : vector<8xi32> to vector<8x1xi32>
      %ge3A_267 = arith.constant 81 : i32
      %ge3A_268 = vector.broadcast %ge3A_267 : i32 to vector<8x1xi32>
      %ge3A_269 = arith.cmpi sge, %broadcast_in_dim3A_266, %ge3A_268 : vector<8x1xi32>
      %select_n3A_270 = arith.select %ge3A_269, %or3A_257, %select_n3A_254 : vector<8x1xi1>, vector<8x1xi32>
      %or3A_271 = arith.constant 65536 : i32
      %or3A_272 = vector.broadcast %or3A_271 : i32 to vector<8x1xi32>
      %or3A_273 = arith.ori %select_n3A_270, %or3A_272 : vector<8x1xi32>
      %xor3A_274 = arith.constant -2147483648 : i32
      %xor3A_275 = vector.broadcast %xor3A_274 : i32 to vector<8x1xi32>
      %xor3A_276 = arith.xori %or3A_273, %xor3A_275 : vector<8x1xi32>
      %ge3A_277 = vector.broadcast %xor3A_276 : vector<8x1xi32> to vector<8x8192xi32>
      %ge3A_278 = arith.cmpi sge, %xor3A, %ge3A_277 : vector<8x8192xi32>
      %convert_element_type3A_279 = arith.extui %ge3A_278 : vector<8x8192xi1> to vector<8x8192xi32>
      %reduce_sum3A_280 = arith.constant dense<0> : vector<8xi32>
      %reduce_sum3A_281 = vector.multi_reduction <add>, %convert_element_type3A_279, %reduce_sum3A_280 [1] : vector<8x8192xi32> to vector<8xi32>
      %broadcast_in_dim3A_282 = vector.shape_cast %reduce_sum3A_281 : vector<8xi32> to vector<8x1xi32>
      %ge3A_283 = arith.constant 81 : i32
      %ge3A_284 = vector.broadcast %ge3A_283 : i32 to vector<8x1xi32>
      %ge3A_285 = arith.cmpi sge, %broadcast_in_dim3A_282, %ge3A_284 : vector<8x1xi32>
      %select_n3A_286 = arith.select %ge3A_285, %or3A_273, %select_n3A_270 : vector<8x1xi1>, vector<8x1xi32>
      %or3A_287 = arith.constant 32768 : i32
      %or3A_288 = vector.broadcast %or3A_287 : i32 to vector<8x1xi32>
      %or3A_289 = arith.ori %select_n3A_286, %or3A_288 : vector<8x1xi32>
      %xor3A_290 = arith.constant -2147483648 : i32
      %xor3A_291 = vector.broadcast %xor3A_290 : i32 to vector<8x1xi32>
      %xor3A_292 = arith.xori %or3A_289, %xor3A_291 : vector<8x1xi32>
      %ge3A_293 = vector.broadcast %xor3A_292 : vector<8x1xi32> to vector<8x8192xi32>
      %ge3A_294 = arith.cmpi sge, %xor3A, %ge3A_293 : vector<8x8192xi32>
      %convert_element_type3A_295 = arith.extui %ge3A_294 : vector<8x8192xi1> to vector<8x8192xi32>
      %reduce_sum3A_296 = arith.constant dense<0> : vector<8xi32>
      %reduce_sum3A_297 = vector.multi_reduction <add>, %convert_element_type3A_295, %reduce_sum3A_296 [1] : vector<8x8192xi32> to vector<8xi32>
      %broadcast_in_dim3A_298 = vector.shape_cast %reduce_sum3A_297 : vector<8xi32> to vector<8x1xi32>
      %ge3A_299 = arith.constant 81 : i32
      %ge3A_300 = vector.broadcast %ge3A_299 : i32 to vector<8x1xi32>
      %ge3A_301 = arith.cmpi sge, %broadcast_in_dim3A_298, %ge3A_300 : vector<8x1xi32>
      %select_n3A_302 = arith.select %ge3A_301, %or3A_289, %select_n3A_286 : vector<8x1xi1>, vector<8x1xi32>
      %or3A_303 = arith.constant 16384 : i32
      %or3A_304 = vector.broadcast %or3A_303 : i32 to vector<8x1xi32>
      %or3A_305 = arith.ori %select_n3A_302, %or3A_304 : vector<8x1xi32>
      %xor3A_306 = arith.constant -2147483648 : i32
      %xor3A_307 = vector.broadcast %xor3A_306 : i32 to vector<8x1xi32>
      %xor3A_308 = arith.xori %or3A_305, %xor3A_307 : vector<8x1xi32>
      %ge3A_309 = vector.broadcast %xor3A_308 : vector<8x1xi32> to vector<8x8192xi32>
      %ge3A_310 = arith.cmpi sge, %xor3A, %ge3A_309 : vector<8x8192xi32>
      %convert_element_type3A_311 = arith.extui %ge3A_310 : vector<8x8192xi1> to vector<8x8192xi32>
      %reduce_sum3A_312 = arith.constant dense<0> : vector<8xi32>
      %reduce_sum3A_313 = vector.multi_reduction <add>, %convert_element_type3A_311, %reduce_sum3A_312 [1] : vector<8x8192xi32> to vector<8xi32>
      %broadcast_in_dim3A_314 = vector.shape_cast %reduce_sum3A_313 : vector<8xi32> to vector<8x1xi32>
      %ge3A_315 = arith.constant 81 : i32
      %ge3A_316 = vector.broadcast %ge3A_315 : i32 to vector<8x1xi32>
      %ge3A_317 = arith.cmpi sge, %broadcast_in_dim3A_314, %ge3A_316 : vector<8x1xi32>
      %select_n3A_318 = arith.select %ge3A_317, %or3A_305, %select_n3A_302 : vector<8x1xi1>, vector<8x1xi32>
      %or3A_319 = arith.constant 8192 : i32
      %or3A_320 = vector.broadcast %or3A_319 : i32 to vector<8x1xi32>
      %or3A_321 = arith.ori %select_n3A_318, %or3A_320 : vector<8x1xi32>
      %xor3A_322 = arith.constant -2147483648 : i32
      %xor3A_323 = vector.broadcast %xor3A_322 : i32 to vector<8x1xi32>
      %xor3A_324 = arith.xori %or3A_321, %xor3A_323 : vector<8x1xi32>
      %ge3A_325 = vector.broadcast %xor3A_324 : vector<8x1xi32> to vector<8x8192xi32>
      %ge3A_326 = arith.cmpi sge, %xor3A, %ge3A_325 : vector<8x8192xi32>
      %convert_element_type3A_327 = arith.extui %ge3A_326 : vector<8x8192xi1> to vector<8x8192xi32>
      %reduce_sum3A_328 = arith.constant dense<0> : vector<8xi32>
      %reduce_sum3A_329 = vector.multi_reduction <add>, %convert_element_type3A_327, %reduce_sum3A_328 [1] : vector<8x8192xi32> to vector<8xi32>
      %broadcast_in_dim3A_330 = vector.shape_cast %reduce_sum3A_329 : vector<8xi32> to vector<8x1xi32>
      %ge3A_331 = arith.constant 81 : i32
      %ge3A_332 = vector.broadcast %ge3A_331 : i32 to vector<8x1xi32>
      %ge3A_333 = arith.cmpi sge, %broadcast_in_dim3A_330, %ge3A_332 : vector<8x1xi32>
      %select_n3A_334 = arith.select %ge3A_333, %or3A_321, %select_n3A_318 : vector<8x1xi1>, vector<8x1xi32>
      %or3A_335 = arith.constant 4096 : i32
      %or3A_336 = vector.broadcast %or3A_335 : i32 to vector<8x1xi32>
      %or3A_337 = arith.ori %select_n3A_334, %or3A_336 : vector<8x1xi32>
      %xor3A_338 = arith.constant -2147483648 : i32
      %xor3A_339 = vector.broadcast %xor3A_338 : i32 to vector<8x1xi32>
      %xor3A_340 = arith.xori %or3A_337, %xor3A_339 : vector<8x1xi32>
      %ge3A_341 = vector.broadcast %xor3A_340 : vector<8x1xi32> to vector<8x8192xi32>
      %ge3A_342 = arith.cmpi sge, %xor3A, %ge3A_341 : vector<8x8192xi32>
      %convert_element_type3A_343 = arith.extui %ge3A_342 : vector<8x8192xi1> to vector<8x8192xi32>
      %reduce_sum3A_344 = arith.constant dense<0> : vector<8xi32>
      %reduce_sum3A_345 = vector.multi_reduction <add>, %convert_element_type3A_343, %reduce_sum3A_344 [1] : vector<8x8192xi32> to vector<8xi32>
      %broadcast_in_dim3A_346 = vector.shape_cast %reduce_sum3A_345 : vector<8xi32> to vector<8x1xi32>
      %ge3A_347 = arith.constant 81 : i32
      %ge3A_348 = vector.broadcast %ge3A_347 : i32 to vector<8x1xi32>
      %ge3A_349 = arith.cmpi sge, %broadcast_in_dim3A_346, %ge3A_348 : vector<8x1xi32>
      %select_n3A_350 = arith.select %ge3A_349, %or3A_337, %select_n3A_334 : vector<8x1xi1>, vector<8x1xi32>
      %or3A_351 = arith.constant 2048 : i32
      %or3A_352 = vector.broadcast %or3A_351 : i32 to vector<8x1xi32>
      %or3A_353 = arith.ori %select_n3A_350, %or3A_352 : vector<8x1xi32>
      %xor3A_354 = arith.constant -2147483648 : i32
      %xor3A_355 = vector.broadcast %xor3A_354 : i32 to vector<8x1xi32>
      %xor3A_356 = arith.xori %or3A_353, %xor3A_355 : vector<8x1xi32>
      %ge3A_357 = vector.broadcast %xor3A_356 : vector<8x1xi32> to vector<8x8192xi32>
      %ge3A_358 = arith.cmpi sge, %xor3A, %ge3A_357 : vector<8x8192xi32>
      %convert_element_type3A_359 = arith.extui %ge3A_358 : vector<8x8192xi1> to vector<8x8192xi32>
      %reduce_sum3A_360 = arith.constant dense<0> : vector<8xi32>
      %reduce_sum3A_361 = vector.multi_reduction <add>, %convert_element_type3A_359, %reduce_sum3A_360 [1] : vector<8x8192xi32> to vector<8xi32>
      %broadcast_in_dim3A_362 = vector.shape_cast %reduce_sum3A_361 : vector<8xi32> to vector<8x1xi32>
      %ge3A_363 = arith.constant 81 : i32
      %ge3A_364 = vector.broadcast %ge3A_363 : i32 to vector<8x1xi32>
      %ge3A_365 = arith.cmpi sge, %broadcast_in_dim3A_362, %ge3A_364 : vector<8x1xi32>
      %select_n3A_366 = arith.select %ge3A_365, %or3A_353, %select_n3A_350 : vector<8x1xi1>, vector<8x1xi32>
      %or3A_367 = arith.constant 1024 : i32
      %or3A_368 = vector.broadcast %or3A_367 : i32 to vector<8x1xi32>
      %or3A_369 = arith.ori %select_n3A_366, %or3A_368 : vector<8x1xi32>
      %xor3A_370 = arith.constant -2147483648 : i32
      %xor3A_371 = vector.broadcast %xor3A_370 : i32 to vector<8x1xi32>
      %xor3A_372 = arith.xori %or3A_369, %xor3A_371 : vector<8x1xi32>
      %ge3A_373 = vector.broadcast %xor3A_372 : vector<8x1xi32> to vector<8x8192xi32>
      %ge3A_374 = arith.cmpi sge, %xor3A, %ge3A_373 : vector<8x8192xi32>
      %convert_element_type3A_375 = arith.extui %ge3A_374 : vector<8x8192xi1> to vector<8x8192xi32>
      %reduce_sum3A_376 = arith.constant dense<0> : vector<8xi32>
      %reduce_sum3A_377 = vector.multi_reduction <add>, %convert_element_type3A_375, %reduce_sum3A_376 [1] : vector<8x8192xi32> to vector<8xi32>
      %broadcast_in_dim3A_378 = vector.shape_cast %reduce_sum3A_377 : vector<8xi32> to vector<8x1xi32>
      %ge3A_379 = arith.constant 81 : i32
      %ge3A_380 = vector.broadcast %ge3A_379 : i32 to vector<8x1xi32>
      %ge3A_381 = arith.cmpi sge, %broadcast_in_dim3A_378, %ge3A_380 : vector<8x1xi32>
      %select_n3A_382 = arith.select %ge3A_381, %or3A_369, %select_n3A_366 : vector<8x1xi1>, vector<8x1xi32>
      %or3A_383 = arith.constant 512 : i32
      %or3A_384 = vector.broadcast %or3A_383 : i32 to vector<8x1xi32>
      %or3A_385 = arith.ori %select_n3A_382, %or3A_384 : vector<8x1xi32>
      %xor3A_386 = arith.constant -2147483648 : i32
      %xor3A_387 = vector.broadcast %xor3A_386 : i32 to vector<8x1xi32>
      %xor3A_388 = arith.xori %or3A_385, %xor3A_387 : vector<8x1xi32>
      %ge3A_389 = vector.broadcast %xor3A_388 : vector<8x1xi32> to vector<8x8192xi32>
      %ge3A_390 = arith.cmpi sge, %xor3A, %ge3A_389 : vector<8x8192xi32>
      %convert_element_type3A_391 = arith.extui %ge3A_390 : vector<8x8192xi1> to vector<8x8192xi32>
      %reduce_sum3A_392 = arith.constant dense<0> : vector<8xi32>
      %reduce_sum3A_393 = vector.multi_reduction <add>, %convert_element_type3A_391, %reduce_sum3A_392 [1] : vector<8x8192xi32> to vector<8xi32>
      %broadcast_in_dim3A_394 = vector.shape_cast %reduce_sum3A_393 : vector<8xi32> to vector<8x1xi32>
      %ge3A_395 = arith.constant 81 : i32
      %ge3A_396 = vector.broadcast %ge3A_395 : i32 to vector<8x1xi32>
      %ge3A_397 = arith.cmpi sge, %broadcast_in_dim3A_394, %ge3A_396 : vector<8x1xi32>
      %select_n3A_398 = arith.select %ge3A_397, %or3A_385, %select_n3A_382 : vector<8x1xi1>, vector<8x1xi32>
      %or3A_399 = arith.constant 256 : i32
      %or3A_400 = vector.broadcast %or3A_399 : i32 to vector<8x1xi32>
      %or3A_401 = arith.ori %select_n3A_398, %or3A_400 : vector<8x1xi32>
      %xor3A_402 = arith.constant -2147483648 : i32
      %xor3A_403 = vector.broadcast %xor3A_402 : i32 to vector<8x1xi32>
      %xor3A_404 = arith.xori %or3A_401, %xor3A_403 : vector<8x1xi32>
      %ge3A_405 = vector.broadcast %xor3A_404 : vector<8x1xi32> to vector<8x8192xi32>
      %ge3A_406 = arith.cmpi sge, %xor3A, %ge3A_405 : vector<8x8192xi32>
      %convert_element_type3A_407 = arith.extui %ge3A_406 : vector<8x8192xi1> to vector<8x8192xi32>
      %reduce_sum3A_408 = arith.constant dense<0> : vector<8xi32>
      %reduce_sum3A_409 = vector.multi_reduction <add>, %convert_element_type3A_407, %reduce_sum3A_408 [1] : vector<8x8192xi32> to vector<8xi32>
      %broadcast_in_dim3A_410 = vector.shape_cast %reduce_sum3A_409 : vector<8xi32> to vector<8x1xi32>
      %ge3A_411 = arith.constant 81 : i32
      %ge3A_412 = vector.broadcast %ge3A_411 : i32 to vector<8x1xi32>
      %ge3A_413 = arith.cmpi sge, %broadcast_in_dim3A_410, %ge3A_412 : vector<8x1xi32>
      %select_n3A_414 = arith.select %ge3A_413, %or3A_401, %select_n3A_398 : vector<8x1xi1>, vector<8x1xi32>
      %or3A_415 = arith.constant 128 : i32
      %or3A_416 = vector.broadcast %or3A_415 : i32 to vector<8x1xi32>
      %or3A_417 = arith.ori %select_n3A_414, %or3A_416 : vector<8x1xi32>
      %xor3A_418 = arith.constant -2147483648 : i32
      %xor3A_419 = vector.broadcast %xor3A_418 : i32 to vector<8x1xi32>
      %xor3A_420 = arith.xori %or3A_417, %xor3A_419 : vector<8x1xi32>
      %ge3A_421 = vector.broadcast %xor3A_420 : vector<8x1xi32> to vector<8x8192xi32>
      %ge3A_422 = arith.cmpi sge, %xor3A, %ge3A_421 : vector<8x8192xi32>
      %convert_element_type3A_423 = arith.extui %ge3A_422 : vector<8x8192xi1> to vector<8x8192xi32>
      %reduce_sum3A_424 = arith.constant dense<0> : vector<8xi32>
      %reduce_sum3A_425 = vector.multi_reduction <add>, %convert_element_type3A_423, %reduce_sum3A_424 [1] : vector<8x8192xi32> to vector<8xi32>
      %broadcast_in_dim3A_426 = vector.shape_cast %reduce_sum3A_425 : vector<8xi32> to vector<8x1xi32>
      %ge3A_427 = arith.constant 81 : i32
      %ge3A_428 = vector.broadcast %ge3A_427 : i32 to vector<8x1xi32>
      %ge3A_429 = arith.cmpi sge, %broadcast_in_dim3A_426, %ge3A_428 : vector<8x1xi32>
      %select_n3A_430 = arith.select %ge3A_429, %or3A_417, %select_n3A_414 : vector<8x1xi1>, vector<8x1xi32>
      %or3A_431 = arith.constant 64 : i32
      %or3A_432 = vector.broadcast %or3A_431 : i32 to vector<8x1xi32>
      %or3A_433 = arith.ori %select_n3A_430, %or3A_432 : vector<8x1xi32>
      %xor3A_434 = arith.constant -2147483648 : i32
      %xor3A_435 = vector.broadcast %xor3A_434 : i32 to vector<8x1xi32>
      %xor3A_436 = arith.xori %or3A_433, %xor3A_435 : vector<8x1xi32>
      %ge3A_437 = vector.broadcast %xor3A_436 : vector<8x1xi32> to vector<8x8192xi32>
      %ge3A_438 = arith.cmpi sge, %xor3A, %ge3A_437 : vector<8x8192xi32>
      %convert_element_type3A_439 = arith.extui %ge3A_438 : vector<8x8192xi1> to vector<8x8192xi32>
      %reduce_sum3A_440 = arith.constant dense<0> : vector<8xi32>
      %reduce_sum3A_441 = vector.multi_reduction <add>, %convert_element_type3A_439, %reduce_sum3A_440 [1] : vector<8x8192xi32> to vector<8xi32>
      %broadcast_in_dim3A_442 = vector.shape_cast %reduce_sum3A_441 : vector<8xi32> to vector<8x1xi32>
      %ge3A_443 = arith.constant 81 : i32
      %ge3A_444 = vector.broadcast %ge3A_443 : i32 to vector<8x1xi32>
      %ge3A_445 = arith.cmpi sge, %broadcast_in_dim3A_442, %ge3A_444 : vector<8x1xi32>
      %select_n3A_446 = arith.select %ge3A_445, %or3A_433, %select_n3A_430 : vector<8x1xi1>, vector<8x1xi32>
      %or3A_447 = arith.constant 32 : i32
      %or3A_448 = vector.broadcast %or3A_447 : i32 to vector<8x1xi32>
      %or3A_449 = arith.ori %select_n3A_446, %or3A_448 : vector<8x1xi32>
      %xor3A_450 = arith.constant -2147483648 : i32
      %xor3A_451 = vector.broadcast %xor3A_450 : i32 to vector<8x1xi32>
      %xor3A_452 = arith.xori %or3A_449, %xor3A_451 : vector<8x1xi32>
      %ge3A_453 = vector.broadcast %xor3A_452 : vector<8x1xi32> to vector<8x8192xi32>
      %ge3A_454 = arith.cmpi sge, %xor3A, %ge3A_453 : vector<8x8192xi32>
      %convert_element_type3A_455 = arith.extui %ge3A_454 : vector<8x8192xi1> to vector<8x8192xi32>
      %reduce_sum3A_456 = arith.constant dense<0> : vector<8xi32>
      %reduce_sum3A_457 = vector.multi_reduction <add>, %convert_element_type3A_455, %reduce_sum3A_456 [1] : vector<8x8192xi32> to vector<8xi32>
      %broadcast_in_dim3A_458 = vector.shape_cast %reduce_sum3A_457 : vector<8xi32> to vector<8x1xi32>
      %ge3A_459 = arith.constant 81 : i32
      %ge3A_460 = vector.broadcast %ge3A_459 : i32 to vector<8x1xi32>
      %ge3A_461 = arith.cmpi sge, %broadcast_in_dim3A_458, %ge3A_460 : vector<8x1xi32>
      %select_n3A_462 = arith.select %ge3A_461, %or3A_449, %select_n3A_446 : vector<8x1xi1>, vector<8x1xi32>
      %or3A_463 = arith.constant 16 : i32
      %or3A_464 = vector.broadcast %or3A_463 : i32 to vector<8x1xi32>
      %or3A_465 = arith.ori %select_n3A_462, %or3A_464 : vector<8x1xi32>
      %xor3A_466 = arith.constant -2147483648 : i32
      %xor3A_467 = vector.broadcast %xor3A_466 : i32 to vector<8x1xi32>
      %xor3A_468 = arith.xori %or3A_465, %xor3A_467 : vector<8x1xi32>
      %ge3A_469 = vector.broadcast %xor3A_468 : vector<8x1xi32> to vector<8x8192xi32>
      %ge3A_470 = arith.cmpi sge, %xor3A, %ge3A_469 : vector<8x8192xi32>
      %convert_element_type3A_471 = arith.extui %ge3A_470 : vector<8x8192xi1> to vector<8x8192xi32>
      %reduce_sum3A_472 = arith.constant dense<0> : vector<8xi32>
      %reduce_sum3A_473 = vector.multi_reduction <add>, %convert_element_type3A_471, %reduce_sum3A_472 [1] : vector<8x8192xi32> to vector<8xi32>
      %broadcast_in_dim3A_474 = vector.shape_cast %reduce_sum3A_473 : vector<8xi32> to vector<8x1xi32>
      %ge3A_475 = arith.constant 81 : i32
      %ge3A_476 = vector.broadcast %ge3A_475 : i32 to vector<8x1xi32>
      %ge3A_477 = arith.cmpi sge, %broadcast_in_dim3A_474, %ge3A_476 : vector<8x1xi32>
      %select_n3A_478 = arith.select %ge3A_477, %or3A_465, %select_n3A_462 : vector<8x1xi1>, vector<8x1xi32>
      %or3A_479 = arith.constant 8 : i32
      %or3A_480 = vector.broadcast %or3A_479 : i32 to vector<8x1xi32>
      %or3A_481 = arith.ori %select_n3A_478, %or3A_480 : vector<8x1xi32>
      %xor3A_482 = arith.constant -2147483648 : i32
      %xor3A_483 = vector.broadcast %xor3A_482 : i32 to vector<8x1xi32>
      %xor3A_484 = arith.xori %or3A_481, %xor3A_483 : vector<8x1xi32>
      %ge3A_485 = vector.broadcast %xor3A_484 : vector<8x1xi32> to vector<8x8192xi32>
      %ge3A_486 = arith.cmpi sge, %xor3A, %ge3A_485 : vector<8x8192xi32>
      %convert_element_type3A_487 = arith.extui %ge3A_486 : vector<8x8192xi1> to vector<8x8192xi32>
      %reduce_sum3A_488 = arith.constant dense<0> : vector<8xi32>
      %reduce_sum3A_489 = vector.multi_reduction <add>, %convert_element_type3A_487, %reduce_sum3A_488 [1] : vector<8x8192xi32> to vector<8xi32>
      %broadcast_in_dim3A_490 = vector.shape_cast %reduce_sum3A_489 : vector<8xi32> to vector<8x1xi32>
      %ge3A_491 = arith.constant 81 : i32
      %ge3A_492 = vector.broadcast %ge3A_491 : i32 to vector<8x1xi32>
      %ge3A_493 = arith.cmpi sge, %broadcast_in_dim3A_490, %ge3A_492 : vector<8x1xi32>
      %select_n3A_494 = arith.select %ge3A_493, %or3A_481, %select_n3A_478 : vector<8x1xi1>, vector<8x1xi32>
      %or3A_495 = arith.constant 4 : i32
      %or3A_496 = vector.broadcast %or3A_495 : i32 to vector<8x1xi32>
      %or3A_497 = arith.ori %select_n3A_494, %or3A_496 : vector<8x1xi32>
      %xor3A_498 = arith.constant -2147483648 : i32
      %xor3A_499 = vector.broadcast %xor3A_498 : i32 to vector<8x1xi32>
      %xor3A_500 = arith.xori %or3A_497, %xor3A_499 : vector<8x1xi32>
      %ge3A_501 = vector.broadcast %xor3A_500 : vector<8x1xi32> to vector<8x8192xi32>
      %ge3A_502 = arith.cmpi sge, %xor3A, %ge3A_501 : vector<8x8192xi32>
      %convert_element_type3A_503 = arith.extui %ge3A_502 : vector<8x8192xi1> to vector<8x8192xi32>
      %reduce_sum3A_504 = arith.constant dense<0> : vector<8xi32>
      %reduce_sum3A_505 = vector.multi_reduction <add>, %convert_element_type3A_503, %reduce_sum3A_504 [1] : vector<8x8192xi32> to vector<8xi32>
      %broadcast_in_dim3A_506 = vector.shape_cast %reduce_sum3A_505 : vector<8xi32> to vector<8x1xi32>
      %ge3A_507 = arith.constant 81 : i32
      %ge3A_508 = vector.broadcast %ge3A_507 : i32 to vector<8x1xi32>
      %ge3A_509 = arith.cmpi sge, %broadcast_in_dim3A_506, %ge3A_508 : vector<8x1xi32>
      %select_n3A_510 = arith.select %ge3A_509, %or3A_497, %select_n3A_494 : vector<8x1xi1>, vector<8x1xi32>
      %or3A_511 = arith.constant 2 : i32
      %or3A_512 = vector.broadcast %or3A_511 : i32 to vector<8x1xi32>
      %or3A_513 = arith.ori %select_n3A_510, %or3A_512 : vector<8x1xi32>
      %xor3A_514 = arith.constant -2147483648 : i32
      %xor3A_515 = vector.broadcast %xor3A_514 : i32 to vector<8x1xi32>
      %xor3A_516 = arith.xori %or3A_513, %xor3A_515 : vector<8x1xi32>
      %ge3A_517 = vector.broadcast %xor3A_516 : vector<8x1xi32> to vector<8x8192xi32>
      %ge3A_518 = arith.cmpi sge, %xor3A, %ge3A_517 : vector<8x8192xi32>
      %convert_element_type3A_519 = arith.extui %ge3A_518 : vector<8x8192xi1> to vector<8x8192xi32>
      %reduce_sum3A_520 = arith.constant dense<0> : vector<8xi32>
      %reduce_sum3A_521 = vector.multi_reduction <add>, %convert_element_type3A_519, %reduce_sum3A_520 [1] : vector<8x8192xi32> to vector<8xi32>
      %broadcast_in_dim3A_522 = vector.shape_cast %reduce_sum3A_521 : vector<8xi32> to vector<8x1xi32>
      %ge3A_523 = arith.constant 81 : i32
      %ge3A_524 = vector.broadcast %ge3A_523 : i32 to vector<8x1xi32>
      %ge3A_525 = arith.cmpi sge, %broadcast_in_dim3A_522, %ge3A_524 : vector<8x1xi32>
      %select_n3A_526 = arith.select %ge3A_525, %or3A_513, %select_n3A_510 : vector<8x1xi1>, vector<8x1xi32>
      %or3A_527 = arith.constant 1 : i32
      %or3A_528 = vector.broadcast %or3A_527 : i32 to vector<8x1xi32>
      %or3A_529 = arith.ori %select_n3A_526, %or3A_528 : vector<8x1xi32>
      %xor3A_530 = arith.constant -2147483648 : i32
      %xor3A_531 = vector.broadcast %xor3A_530 : i32 to vector<8x1xi32>
      %xor3A_532 = arith.xori %or3A_529, %xor3A_531 : vector<8x1xi32>
      %ge3A_533 = vector.broadcast %xor3A_532 : vector<8x1xi32> to vector<8x8192xi32>
      %ge3A_534 = arith.cmpi sge, %xor3A, %ge3A_533 : vector<8x8192xi32>
      %convert_element_type3A_535 = arith.extui %ge3A_534 : vector<8x8192xi1> to vector<8x8192xi32>
      %reduce_sum3A_536 = arith.constant dense<0> : vector<8xi32>
      %reduce_sum3A_537 = vector.multi_reduction <add>, %convert_element_type3A_535, %reduce_sum3A_536 [1] : vector<8x8192xi32> to vector<8xi32>
      %broadcast_in_dim3A_538 = vector.shape_cast %reduce_sum3A_537 : vector<8xi32> to vector<8x1xi32>
      %ge3A_539 = arith.constant 81 : i32
      %ge3A_540 = vector.broadcast %ge3A_539 : i32 to vector<8x1xi32>
      %ge3A_541 = arith.cmpi sge, %broadcast_in_dim3A_538, %ge3A_540 : vector<8x1xi32>
      %select_n3A_542 = arith.select %ge3A_541, %or3A_529, %select_n3A_526 : vector<8x1xi1>, vector<8x1xi32>
      %xor3A_543 = arith.constant -2147483648 : i32
      %xor3A_544 = vector.broadcast %xor3A_543 : i32 to vector<8x1xi32>
      %xor3A_545 = arith.xori %select_n3A_542, %xor3A_544 : vector<8x1xi32>
      %gt3A = vector.broadcast %xor3A_545 : vector<8x1xi32> to vector<8x8192xi32>
      %gt3A_546 = arith.cmpi sgt, %xor3A, %gt3A : vector<8x8192xi32>
      %eq3A_547 = vector.broadcast %xor3A_545 : vector<8x1xi32> to vector<8x8192xi32>
      %eq3A_548 = arith.cmpi eq, %xor3A, %eq3A_547 : vector<8x8192xi32>
      %convert_element_type3A_549 = arith.extui %gt3A_546 : vector<8x8192xi1> to vector<8x8192xi32>
      %reduce_sum3A_550 = arith.constant dense<0> : vector<8xi32>
      %reduce_sum3A_551 = vector.multi_reduction <add>, %convert_element_type3A_549, %reduce_sum3A_550 [1] : vector<8x8192xi32> to vector<8xi32>
      %broadcast_in_dim3A_552 = vector.shape_cast %reduce_sum3A_551 : vector<8xi32> to vector<8x1xi32>
      %convert_element_type3A_553 = arith.extui %eq3A_548 : vector<8x8192xi1> to vector<8x8192xi32>
      %reduce_sum3A_554 = arith.constant dense<0> : vector<8xi32>
      %reduce_sum3A_555 = vector.multi_reduction <add>, %convert_element_type3A_553, %reduce_sum3A_554 [1] : vector<8x8192xi32> to vector<8xi32>
      %broadcast_in_dim3A_556 = vector.shape_cast %reduce_sum3A_555 : vector<8xi32> to vector<8x1xi32>
      %sub3A = arith.constant 81 : i32
      %sub3A_557 = vector.broadcast %sub3A : i32 to vector<8x1xi32>
      %sub3A_558 = arith.subi %sub3A_557, %broadcast_in_dim3A_552 : vector<8x1xi32>
      %iota3A = tpu.iota {dimensions = array<i32: 1>} : vector<8x8192xi32>
      %broadcast_in_dim3A_559 = arith.constant 8191 : i32
      %broadcast_in_dim3A_560 = vector.broadcast %broadcast_in_dim3A_559 : i32 to vector<8x1xi32>
      %swap3A_561 = arith.constant 0 : index
      %swap3A_562 = arith.constant 0 : index
      %swap3A_563 = vector.load %arg12[%swap3A_561, %swap3A_562] : memref<8x1xi32, #tpu.memory_space<vmem>>, vector<8x1xi32>
      tpu.vector_store %arg12[%swap3A_561, %swap3A_562], %broadcast_in_dim3A_560 {strides = array<i32>} : memref<8x1xi32, #tpu.memory_space<vmem>>, vector<8x1xi32>,
      %gt3A_564 = arith.cmpi sgt, %broadcast_in_dim3A_556, %sub3A_558 : vector<8x1xi32>
      %reduce_or3A = arith.constant 1.000000e+00 : f32
      %reduce_or3A_565 = arith.constant 0.000000e+00 : f32
      %reduce_or3A_566 = vector.broadcast %reduce_or3A : f32 to vector<8x1xf32>
      %reduce_or3A_567 = vector.broadcast %reduce_or3A_565 : f32 to vector<8x1xf32>
      %reduce_or3A_568 = arith.select %gt3A_564, %reduce_or3A_566, %reduce_or3A_567 : vector<8x1xi1>, vector<8x1xf32>
      %reduce_or3A_569 = vector.shape_cast %reduce_or3A_568 : vector<8x1xf32> to vector<1x8x1xf32>
      %reduce_or3A_570 = arith.constant dense<0xFF800000> : vector<1xf32>
      %reduce_or3A_571 = vector.multi_reduction <maximumf>, %reduce_or3A_569, %reduce_or3A_570 [1, 2] : vector<1x8x1xf32> to vector<1xf32>
      %reduce_or3A_572 = vector.shape_cast %reduce_or3A_571 : vector<1xf32> to vector<1x1x1xf32>
      %reduce_or3A_573 = vector.extract %reduce_or3A_572[0, 0, 0] : f32 from vector<1x1x1xf32>
      %reduce_or3A_574 = arith.constant 0.000000e+00 : f32
      %reduce_or3A_575 = arith.cmpf ogt, %reduce_or3A_573, %reduce_or3A_574 : f32
      %convert_element_type3A_576 = arith.extui %reduce_or3A_575 : i1 to i32
      %cond3A_577 = arith.constant 0 : i32
      %cond3A_578 = arith.cmpi ne, %convert_element_type3A_576, %cond3A_577 : i32
      scf.if %cond3A_578 {
        %broadcast_in_dim3A_657 = arith.constant 0 : i32
        %broadcast_in_dim3A_658 = vector.broadcast %broadcast_in_dim3A_657 : i32 to vector<8x1xi32>
        %or3A_659 = arith.constant 4096 : i32
        %or3A_660 = vector.broadcast %or3A_659 : i32 to vector<8x1xi32>
        %or3A_661 = arith.ori %broadcast_in_dim3A_658, %or3A_660 : vector<8x1xi32>
        %lt3A = vector.broadcast %or3A_661 : vector<8x1xi32> to vector<8x8192xi32>
        %lt3A_662 = arith.cmpi slt, %iota3A, %lt3A : vector<8x8192xi32>
        %and3A_663 = arith.andi %eq3A_548, %lt3A_662 : vector<8x8192xi1>
        %convert_element_type3A_664 = arith.extui %and3A_663 : vector<8x8192xi1> to vector<8x8192xi32>
        %reduce_sum3A_665 = arith.constant dense<0> : vector<8xi32>
        %reduce_sum3A_666 = vector.multi_reduction <add>, %convert_element_type3A_664, %reduce_sum3A_665 [1] : vector<8x8192xi32> to vector<8xi32>
        %broadcast_in_dim3A_667 = vector.shape_cast %reduce_sum3A_666 : vector<8xi32> to vector<8x1xi32>
        %lt3A_668 = arith.cmpi slt, %broadcast_in_dim3A_667, %sub3A_558 : vector<8x1xi32>
        %select_n3A_669 = arith.select %lt3A_668, %or3A_661, %broadcast_in_dim3A_658 : vector<8x1xi1>, vector<8x1xi32>
        %or3A_670 = arith.constant 2048 : i32
        %or3A_671 = vector.broadcast %or3A_670 : i32 to vector<8x1xi32>
        %or3A_672 = arith.ori %select_n3A_669, %or3A_671 : vector<8x1xi32>
        %lt3A_673 = vector.broadcast %or3A_672 : vector<8x1xi32> to vector<8x8192xi32>
        %lt3A_674 = arith.cmpi slt, %iota3A, %lt3A_673 : vector<8x8192xi32>
        %and3A_675 = arith.andi %eq3A_548, %lt3A_674 : vector<8x8192xi1>
        %convert_element_type3A_676 = arith.extui %and3A_675 : vector<8x8192xi1> to vector<8x8192xi32>
        %reduce_sum3A_677 = arith.constant dense<0> : vector<8xi32>
        %reduce_sum3A_678 = vector.multi_reduction <add>, %convert_element_type3A_676, %reduce_sum3A_677 [1] : vector<8x8192xi32> to vector<8xi32>
        %broadcast_in_dim3A_679 = vector.shape_cast %reduce_sum3A_678 : vector<8xi32> to vector<8x1xi32>
        %lt3A_680 = arith.cmpi slt, %broadcast_in_dim3A_679, %sub3A_558 : vector<8x1xi32>
        %select_n3A_681 = arith.select %lt3A_680, %or3A_672, %select_n3A_669 : vector<8x1xi1>, vector<8x1xi32>
        %or3A_682 = arith.constant 1024 : i32
        %or3A_683 = vector.broadcast %or3A_682 : i32 to vector<8x1xi32>
        %or3A_684 = arith.ori %select_n3A_681, %or3A_683 : vector<8x1xi32>
        %lt3A_685 = vector.broadcast %or3A_684 : vector<8x1xi32> to vector<8x8192xi32>
        %lt3A_686 = arith.cmpi slt, %iota3A, %lt3A_685 : vector<8x8192xi32>
        %and3A_687 = arith.andi %eq3A_548, %lt3A_686 : vector<8x8192xi1>
        %convert_element_type3A_688 = arith.extui %and3A_687 : vector<8x8192xi1> to vector<8x8192xi32>
        %reduce_sum3A_689 = arith.constant dense<0> : vector<8xi32>
        %reduce_sum3A_690 = vector.multi_reduction <add>, %convert_element_type3A_688, %reduce_sum3A_689 [1] : vector<8x8192xi32> to vector<8xi32>
        %broadcast_in_dim3A_691 = vector.shape_cast %reduce_sum3A_690 : vector<8xi32> to vector<8x1xi32>
        %lt3A_692 = arith.cmpi slt, %broadcast_in_dim3A_691, %sub3A_558 : vector<8x1xi32>
        %select_n3A_693 = arith.select %lt3A_692, %or3A_684, %select_n3A_681 : vector<8x1xi1>, vector<8x1xi32>
        %or3A_694 = arith.constant 512 : i32
        %or3A_695 = vector.broadcast %or3A_694 : i32 to vector<8x1xi32>
        %or3A_696 = arith.ori %select_n3A_693, %or3A_695 : vector<8x1xi32>
        %lt3A_697 = vector.broadcast %or3A_696 : vector<8x1xi32> to vector<8x8192xi32>
        %lt3A_698 = arith.cmpi slt, %iota3A, %lt3A_697 : vector<8x8192xi32>
        %and3A_699 = arith.andi %eq3A_548, %lt3A_698 : vector<8x8192xi1>
        %convert_element_type3A_700 = arith.extui %and3A_699 : vector<8x8192xi1> to vector<8x8192xi32>
        %reduce_sum3A_701 = arith.constant dense<0> : vector<8xi32>
        %reduce_sum3A_702 = vector.multi_reduction <add>, %convert_element_type3A_700, %reduce_sum3A_701 [1] : vector<8x8192xi32> to vector<8xi32>
        %broadcast_in_dim3A_703 = vector.shape_cast %reduce_sum3A_702 : vector<8xi32> to vector<8x1xi32>
        %lt3A_704 = arith.cmpi slt, %broadcast_in_dim3A_703, %sub3A_558 : vector<8x1xi32>
        %select_n3A_705 = arith.select %lt3A_704, %or3A_696, %select_n3A_693 : vector<8x1xi1>, vector<8x1xi32>
        %or3A_706 = arith.constant 256 : i32
        %or3A_707 = vector.broadcast %or3A_706 : i32 to vector<8x1xi32>
        %or3A_708 = arith.ori %select_n3A_705, %or3A_707 : vector<8x1xi32>
        %lt3A_709 = vector.broadcast %or3A_708 : vector<8x1xi32> to vector<8x8192xi32>
        %lt3A_710 = arith.cmpi slt, %iota3A, %lt3A_709 : vector<8x8192xi32>
        %and3A_711 = arith.andi %eq3A_548, %lt3A_710 : vector<8x8192xi1>
        %convert_element_type3A_712 = arith.extui %and3A_711 : vector<8x8192xi1> to vector<8x8192xi32>
        %reduce_sum3A_713 = arith.constant dense<0> : vector<8xi32>
        %reduce_sum3A_714 = vector.multi_reduction <add>, %convert_element_type3A_712, %reduce_sum3A_713 [1] : vector<8x8192xi32> to vector<8xi32>
        %broadcast_in_dim3A_715 = vector.shape_cast %reduce_sum3A_714 : vector<8xi32> to vector<8x1xi32>
        %lt3A_716 = arith.cmpi slt, %broadcast_in_dim3A_715, %sub3A_558 : vector<8x1xi32>
        %select_n3A_717 = arith.select %lt3A_716, %or3A_708, %select_n3A_705 : vector<8x1xi1>, vector<8x1xi32>
        %or3A_718 = arith.constant 128 : i32
        %or3A_719 = vector.broadcast %or3A_718 : i32 to vector<8x1xi32>
        %or3A_720 = arith.ori %select_n3A_717, %or3A_719 : vector<8x1xi32>
        %lt3A_721 = vector.broadcast %or3A_720 : vector<8x1xi32> to vector<8x8192xi32>
        %lt3A_722 = arith.cmpi slt, %iota3A, %lt3A_721 : vector<8x8192xi32>
        %and3A_723 = arith.andi %eq3A_548, %lt3A_722 : vector<8x8192xi1>
        %convert_element_type3A_724 = arith.extui %and3A_723 : vector<8x8192xi1> to vector<8x8192xi32>
        %reduce_sum3A_725 = arith.constant dense<0> : vector<8xi32>
        %reduce_sum3A_726 = vector.multi_reduction <add>, %convert_element_type3A_724, %reduce_sum3A_725 [1] : vector<8x8192xi32> to vector<8xi32>
        %broadcast_in_dim3A_727 = vector.shape_cast %reduce_sum3A_726 : vector<8xi32> to vector<8x1xi32>
        %lt3A_728 = arith.cmpi slt, %broadcast_in_dim3A_727, %sub3A_558 : vector<8x1xi32>
        %select_n3A_729 = arith.select %lt3A_728, %or3A_720, %select_n3A_717 : vector<8x1xi1>, vector<8x1xi32>
        %or3A_730 = arith.constant 64 : i32
        %or3A_731 = vector.broadcast %or3A_730 : i32 to vector<8x1xi32>
        %or3A_732 = arith.ori %select_n3A_729, %or3A_731 : vector<8x1xi32>
        %lt3A_733 = vector.broadcast %or3A_732 : vector<8x1xi32> to vector<8x8192xi32>
        %lt3A_734 = arith.cmpi slt, %iota3A, %lt3A_733 : vector<8x8192xi32>
        %and3A_735 = arith.andi %eq3A_548, %lt3A_734 : vector<8x8192xi1>
        %convert_element_type3A_736 = arith.extui %and3A_735 : vector<8x8192xi1> to vector<8x8192xi32>
        %reduce_sum3A_737 = arith.constant dense<0> : vector<8xi32>
        %reduce_sum3A_738 = vector.multi_reduction <add>, %convert_element_type3A_736, %reduce_sum3A_737 [1] : vector<8x8192xi32> to vector<8xi32>
        %broadcast_in_dim3A_739 = vector.shape_cast %reduce_sum3A_738 : vector<8xi32> to vector<8x1xi32>
        %lt3A_740 = arith.cmpi slt, %broadcast_in_dim3A_739, %sub3A_558 : vector<8x1xi32>
        %select_n3A_741 = arith.select %lt3A_740, %or3A_732, %select_n3A_729 : vector<8x1xi1>, vector<8x1xi32>
        %or3A_742 = arith.constant 32 : i32
        %or3A_743 = vector.broadcast %or3A_742 : i32 to vector<8x1xi32>
        %or3A_744 = arith.ori %select_n3A_741, %or3A_743 : vector<8x1xi32>
        %lt3A_745 = vector.broadcast %or3A_744 : vector<8x1xi32> to vector<8x8192xi32>
        %lt3A_746 = arith.cmpi slt, %iota3A, %lt3A_745 : vector<8x8192xi32>
        %and3A_747 = arith.andi %eq3A_548, %lt3A_746 : vector<8x8192xi1>
        %convert_element_type3A_748 = arith.extui %and3A_747 : vector<8x8192xi1> to vector<8x8192xi32>
        %reduce_sum3A_749 = arith.constant dense<0> : vector<8xi32>
        %reduce_sum3A_750 = vector.multi_reduction <add>, %convert_element_type3A_748, %reduce_sum3A_749 [1] : vector<8x8192xi32> to vector<8xi32>
        %broadcast_in_dim3A_751 = vector.shape_cast %reduce_sum3A_750 : vector<8xi32> to vector<8x1xi32>
        %lt3A_752 = arith.cmpi slt, %broadcast_in_dim3A_751, %sub3A_558 : vector<8x1xi32>
        %select_n3A_753 = arith.select %lt3A_752, %or3A_744, %select_n3A_741 : vector<8x1xi1>, vector<8x1xi32>
        %or3A_754 = arith.constant 16 : i32
        %or3A_755 = vector.broadcast %or3A_754 : i32 to vector<8x1xi32>
        %or3A_756 = arith.ori %select_n3A_753, %or3A_755 : vector<8x1xi32>
        %lt3A_757 = vector.broadcast %or3A_756 : vector<8x1xi32> to vector<8x8192xi32>
        %lt3A_758 = arith.cmpi slt, %iota3A, %lt3A_757 : vector<8x8192xi32>
        %and3A_759 = arith.andi %eq3A_548, %lt3A_758 : vector<8x8192xi1>
        %convert_element_type3A_760 = arith.extui %and3A_759 : vector<8x8192xi1> to vector<8x8192xi32>
        %reduce_sum3A_761 = arith.constant dense<0> : vector<8xi32>
        %reduce_sum3A_762 = vector.multi_reduction <add>, %convert_element_type3A_760, %reduce_sum3A_761 [1] : vector<8x8192xi32> to vector<8xi32>
        %broadcast_in_dim3A_763 = vector.shape_cast %reduce_sum3A_762 : vector<8xi32> to vector<8x1xi32>
        %lt3A_764 = arith.cmpi slt, %broadcast_in_dim3A_763, %sub3A_558 : vector<8x1xi32>
        %select_n3A_765 = arith.select %lt3A_764, %or3A_756, %select_n3A_753 : vector<8x1xi1>, vector<8x1xi32>
        %or3A_766 = arith.constant 8 : i32
        %or3A_767 = vector.broadcast %or3A_766 : i32 to vector<8x1xi32>
        %or3A_768 = arith.ori %select_n3A_765, %or3A_767 : vector<8x1xi32>
        %lt3A_769 = vector.broadcast %or3A_768 : vector<8x1xi32> to vector<8x8192xi32>
        %lt3A_770 = arith.cmpi slt, %iota3A, %lt3A_769 : vector<8x8192xi32>
        %and3A_771 = arith.andi %eq3A_548, %lt3A_770 : vector<8x8192xi1>
        %convert_element_type3A_772 = arith.extui %and3A_771 : vector<8x8192xi1> to vector<8x8192xi32>
        %reduce_sum3A_773 = arith.constant dense<0> : vector<8xi32>
        %reduce_sum3A_774 = vector.multi_reduction <add>, %convert_element_type3A_772, %reduce_sum3A_773 [1] : vector<8x8192xi32> to vector<8xi32>
        %broadcast_in_dim3A_775 = vector.shape_cast %reduce_sum3A_774 : vector<8xi32> to vector<8x1xi32>
        %lt3A_776 = arith.cmpi slt, %broadcast_in_dim3A_775, %sub3A_558 : vector<8x1xi32>
        %select_n3A_777 = arith.select %lt3A_776, %or3A_768, %select_n3A_765 : vector<8x1xi1>, vector<8x1xi32>
        %or3A_778 = arith.constant 4 : i32
        %or3A_779 = vector.broadcast %or3A_778 : i32 to vector<8x1xi32>
        %or3A_780 = arith.ori %select_n3A_777, %or3A_779 : vector<8x1xi32>
        %lt3A_781 = vector.broadcast %or3A_780 : vector<8x1xi32> to vector<8x8192xi32>
        %lt3A_782 = arith.cmpi slt, %iota3A, %lt3A_781 : vector<8x8192xi32>
        %and3A_783 = arith.andi %eq3A_548, %lt3A_782 : vector<8x8192xi1>
        %convert_element_type3A_784 = arith.extui %and3A_783 : vector<8x8192xi1> to vector<8x8192xi32>
        %reduce_sum3A_785 = arith.constant dense<0> : vector<8xi32>
        %reduce_sum3A_786 = vector.multi_reduction <add>, %convert_element_type3A_784, %reduce_sum3A_785 [1] : vector<8x8192xi32> to vector<8xi32>
        %broadcast_in_dim3A_787 = vector.shape_cast %reduce_sum3A_786 : vector<8xi32> to vector<8x1xi32>
        %lt3A_788 = arith.cmpi slt, %broadcast_in_dim3A_787, %sub3A_558 : vector<8x1xi32>
        %select_n3A_789 = arith.select %lt3A_788, %or3A_780, %select_n3A_777 : vector<8x1xi1>, vector<8x1xi32>
        %or3A_790 = arith.constant 2 : i32
        %or3A_791 = vector.broadcast %or3A_790 : i32 to vector<8x1xi32>
        %or3A_792 = arith.ori %select_n3A_789, %or3A_791 : vector<8x1xi32>
        %lt3A_793 = vector.broadcast %or3A_792 : vector<8x1xi32> to vector<8x8192xi32>
        %lt3A_794 = arith.cmpi slt, %iota3A, %lt3A_793 : vector<8x8192xi32>
        %and3A_795 = arith.andi %eq3A_548, %lt3A_794 : vector<8x8192xi1>
        %convert_element_type3A_796 = arith.extui %and3A_795 : vector<8x8192xi1> to vector<8x8192xi32>
        %reduce_sum3A_797 = arith.constant dense<0> : vector<8xi32>
        %reduce_sum3A_798 = vector.multi_reduction <add>, %convert_element_type3A_796, %reduce_sum3A_797 [1] : vector<8x8192xi32> to vector<8xi32>
        %broadcast_in_dim3A_799 = vector.shape_cast %reduce_sum3A_798 : vector<8xi32> to vector<8x1xi32>
        %lt3A_800 = arith.cmpi slt, %broadcast_in_dim3A_799, %sub3A_558 : vector<8x1xi32>
        %select_n3A_801 = arith.select %lt3A_800, %or3A_792, %select_n3A_789 : vector<8x1xi1>, vector<8x1xi32>
        %or3A_802 = arith.constant 1 : i32
        %or3A_803 = vector.broadcast %or3A_802 : i32 to vector<8x1xi32>
        %or3A_804 = arith.ori %select_n3A_801, %or3A_803 : vector<8x1xi32>
        %lt3A_805 = vector.broadcast %or3A_804 : vector<8x1xi32> to vector<8x8192xi32>
        %lt3A_806 = arith.cmpi slt, %iota3A, %lt3A_805 : vector<8x8192xi32>
        %and3A_807 = arith.andi %eq3A_548, %lt3A_806 : vector<8x8192xi1>
        %convert_element_type3A_808 = arith.extui %and3A_807 : vector<8x8192xi1> to vector<8x8192xi32>
        %reduce_sum3A_809 = arith.constant dense<0> : vector<8xi32>
        %reduce_sum3A_810 = vector.multi_reduction <add>, %convert_element_type3A_808, %reduce_sum3A_809 [1] : vector<8x8192xi32> to vector<8xi32>
        %broadcast_in_dim3A_811 = vector.shape_cast %reduce_sum3A_810 : vector<8xi32> to vector<8x1xi32>
        %lt3A_812 = arith.cmpi slt, %broadcast_in_dim3A_811, %sub3A_558 : vector<8x1xi32>
        %select_n3A_813 = arith.select %lt3A_812, %or3A_804, %select_n3A_801 : vector<8x1xi1>, vector<8x1xi32>
        %swap3A_814 = arith.constant 0 : index
        %swap3A_815 = arith.constant 0 : index
        %swap3A_816 = vector.load %arg12[%swap3A_814, %swap3A_815] : memref<8x1xi32, #tpu.memory_space<vmem>>, vector<8x1xi32>
        tpu.vector_store %arg12[%swap3A_814, %swap3A_815], %select_n3A_813 {strides = array<i32>} : memref<8x1xi32, #tpu.memory_space<vmem>>, vector<8x1xi32>,
      } else {
      }
      %get3A_579 = arith.constant 0 : index
      %get3A_580 = arith.constant 0 : index
      %get3A_581 = vector.load %arg12[%get3A_579, %get3A_580] : memref<8x1xi32, #tpu.memory_space<vmem>>, vector<8x1xi32>
      %le3A = vector.broadcast %get3A_581 : vector<8x1xi32> to vector<8x8192xi32>
      %le3A_582 = arith.cmpi sle, %iota3A, %le3A : vector<8x8192xi32>
      %and3A_583 = arith.andi %eq3A_548, %le3A_582 : vector<8x8192xi1>
      %or3A_584 = arith.ori %gt3A_546, %and3A_583 : vector<8x8192xi1>
      %jit3A = arith.constant 0.000000e+00 : f32
      %broadcast_in_dim3A_585 = vector.broadcast %jit3A : f32 to vector<8x8192xf32>
      %select_n3A_586 = arith.select %or3A_584, %get3A_27, %broadcast_in_dim3A_585 : vector<8x8192xi1>, vector<8x8192xf32>
      %get3A_587 = arith.constant 0 : index
      %get3A_588 = arith.constant 0 : index
      %get3A_589 = memref.load %arg5[%get3A_587, %get3A_588] : memref<1x1xf32, #tpu.memory_space<smem>>
      %get3A_590 = arith.constant 0 : index
      %get3A_591 = arith.constant 0 : index
      %get3A_592 = memref.load %arg6[%get3A_590, %get3A_591] : memref<1x1xf32, #tpu.memory_space<smem>>
      %get3A_593 = arith.constant 0 : index
      %get3A_594 = arith.constant 0 : index
      %get3A_595 = vector.load %arg1[%get3A_593, %get3A_594] : memref<8x2048xf32, #tpu.memory_space<vmem>>, vector<8x2048xf32>
      %get3A_596 = arith.constant 0 : index
      %get3A_597 = arith.constant 0 : index
      %get3A_598 = vector.load %arg10[%get3A_596, %get3A_597] : memref<1x8192xf32, #tpu.memory_space<vmem>>, vector<1x2048xf32>
      %get3A_599 = arith.constant 0 : index
      %get3A_600 = arith.constant 0 : index
      %get3A_601 = vector.load %arg11[%get3A_599, %get3A_600] : memref<1x8192xf32, #tpu.memory_space<vmem>>, vector<1x2048xf32>
      %slice3A = vector.extract_strided_slice %select_n3A_586 {offsets = [0, 0], sizes = [8, 2048], strides = [1, 1]} : vector<8x8192xf32> to vector<8x2048xf32>
      %mul3A_602 = arith.mulf %select_n3A_586, %select_n3A_586 : vector<8x8192xf32>
      %reduce_sum3A_603 = arith.constant dense<0.000000e+00> : vector<8xf32>
      %reduce_sum3A_604 = vector.multi_reduction <add>, %mul3A_602, %reduce_sum3A_603 [1] : vector<8x8192xf32> to vector<8xf32>
      %broadcast_in_dim3A_605 = vector.shape_cast %reduce_sum3A_604 : vector<8xf32> to vector<8x1xf32>
      %mul3A_606 = arith.mulf %slice3A, %get3A_595 : vector<8x2048xf32>
      %mul3A_607 = vector.broadcast %get3A_589 : f32 to vector<1x2048xf32>
      %mul3A_608 = arith.mulf %mul3A_607, %get3A_598 : vector<1x2048xf32>
      %mul3A_609 = vector.broadcast %get3A_592 : f32 to vector<1x2048xf32>
      %mul3A_610 = arith.mulf %mul3A_609, %get3A_601 : vector<1x2048xf32>
      %add3A_611 = arith.addf %mul3A_608, %mul3A_610 : vector<1x2048xf32>
      %mul3A_612 = vector.broadcast %add3A_611 : vector<1x2048xf32> to vector<8x2048xf32>
      %mul3A_613 = arith.mulf %mul3A_606, %mul3A_612 : vector<8x2048xf32>
      %reduce_sum3A_614 = arith.constant dense<0.000000e+00> : vector<8xf32>
      %reduce_sum3A_615 = vector.multi_reduction <add>, %mul3A_613, %reduce_sum3A_614 [1] : vector<8x2048xf32> to vector<8xf32>
      %broadcast_in_dim3A_616 = vector.shape_cast %reduce_sum3A_615 : vector<8xf32> to vector<8x1xf32>
      %mul3A_617 = arith.constant 2.000000e+00 : f32
      %mul3A_618 = vector.broadcast %mul3A_617 : f32 to vector<8x1xf32>
      %mul3A_619 = arith.mulf %mul3A_618, %broadcast_in_dim3A_616 : vector<8x1xf32>
      %add3A_620 = arith.addf %broadcast_in_dim3A_605, %mul3A_619 : vector<8x1xf32>
      %mul3A_621 = arith.mulf %get3A_589, %get3A_589 : f32
      %mul3A_622 = arith.mulf %get3A_592, %get3A_592 : f32
      %add3A_623 = arith.addf %mul3A_621, %mul3A_622 : f32
      %mul3A_624 = arith.mulf %get3A_595, %get3A_595 : vector<8x2048xf32>
      %reduce_sum3A_625 = arith.constant dense<0.000000e+00> : vector<8xf32>
      %reduce_sum3A_626 = vector.multi_reduction <add>, %mul3A_624, %reduce_sum3A_625 [1] : vector<8x2048xf32> to vector<8xf32>
      %broadcast_in_dim3A_627 = vector.shape_cast %reduce_sum3A_626 : vector<8xf32> to vector<8x1xf32>
      %mul3A_628 = vector.broadcast %add3A_623 : f32 to vector<8x1xf32>
      %mul3A_629 = arith.mulf %mul3A_628, %broadcast_in_dim3A_627 : vector<8x1xf32>
      %add3A_630 = arith.addf %add3A_620, %mul3A_629 : vector<8x1xf32>
      %sqrt3A_631 = math.sqrt %add3A_630 : vector<8x1xf32>
      %max3A_632 = arith.constant 9.99999996E-13 : f32
      %max3A_633 = vector.broadcast %max3A_632 : f32 to vector<8x1xf32>
      %max3A_634 = arith.maximumf %sqrt3A_631, %max3A_633 : vector<8x1xf32>
      %div3A_635 = arith.constant 90.5096664 : f32
      %div3A_636 = vector.broadcast %div3A_635 : f32 to vector<8x1xf32>
      %div3A_637 = arith.divf %div3A_636, %max3A_634 : vector<8x1xf32>
      %broadcast_in_dim3A_638 = vector.shape_cast %xor3A_545 : vector<8x1xi32> to vector<8x1xi32>
      %broadcast_in_dim3A_639 = vector.broadcast %broadcast_in_dim3A_638 : vector<8x1xi32> to vector<8x16xi32>
      %broadcast_in_dim3A_640 = vector.shape_cast %get3A_581 : vector<8x1xi32> to vector<8x1xi32>
      %broadcast_in_dim3A_641 = vector.broadcast %broadcast_in_dim3A_640 : vector<8x1xi32> to vector<8x16xi32>
      %broadcast_in_dim3A_642 = arith.constant 0 : i32
      %broadcast_in_dim3A_643 = vector.broadcast %broadcast_in_dim3A_642 : i32 to vector<8x96xi32>
      %concatenate3A = tpu.concatenate %broadcast_in_dim3A_639, %broadcast_in_dim3A_641, %broadcast_in_dim3A_643 in 1 : vector<8x16xi32>, vector<8x16xi32>, vector<8x96xi32> -> vector<8x128xi32>
      %swap3A_644 = arith.constant 0 : index
      %swap3A_645 = arith.constant 0 : index
      %swap3A_646 = vector.load %arg8[%swap3A_644, %swap3A_645] : memref<8x128xi32, #tpu.memory_space<vmem>>, vector<8x128xi32>
      tpu.vector_store %arg8[%swap3A_644, %swap3A_645], %concatenate3A {strides = array<i32>} : memref<8x128xi32, #tpu.memory_space<vmem>>, vector<8x128xi32>,
      %broadcast_in_dim3A_647 = vector.shape_cast %div3A_637 : vector<8x1xf32> to vector<8x1xf32>
      %broadcast_in_dim3A_648 = vector.broadcast %broadcast_in_dim3A_647 : vector<8x1xf32> to vector<8x16xf32>
      %broadcast_in_dim3A_649 = vector.broadcast %get3A_589 : f32 to vector<8x16xf32>
      %broadcast_in_dim3A_650 = vector.broadcast %get3A_592 : f32 to vector<8x16xf32>
      %broadcast_in_dim3A_651 = arith.constant 0.000000e+00 : f32
      %broadcast_in_dim3A_652 = vector.broadcast %broadcast_in_dim3A_651 : f32 to vector<8x80xf32>
      %concatenate3A_653 = tpu.concatenate %broadcast_in_dim3A_648, %broadcast_in_dim3A_649, %broadcast_in_dim3A_650, %broadcast_in_dim3A_652 in 1 : vector<8x16xf32>, vector<8x16xf32>, vector<8x16xf32>, vector<8x80xf32> -> vector<8x128xf32>
      %swap3A_654 = arith.constant 0 : index
      %swap3A_655 = arith.constant 0 : index
      %swap3A_656 = vector.load %arg9[%swap3A_654, %swap3A_655] : memref<8x128xf32, #tpu.memory_space<vmem>>, vector<8x128xf32>
      tpu.vector_store %arg9[%swap3A_654, %swap3A_655], %concatenate3A_653 {strides = array<i32>} : memref<8x128xf32, #tpu.memory_space<vmem>>, vector<8x128xf32>,
    } else {
    }
    return
  }
  func.func @transform_0(%arg0: i32) -> (i32, i32) {
    %c0_i32 = arith.constant 0 : i32
    %c0_i32_0 = arith.constant 0 : i32
    %c0_i32_1 = arith.constant 0 : i32
    return %c0_i32, %c0_i32_0 : i32, i32
  }
  func.func @transform_1(%arg0: i32) -> (i32, i32) {
    %c0_i32 = arith.constant 0 : i32
    %c0_i32_0 = arith.constant 0 : i32
    return %arg0, %c0_i32 : i32, i32
  }
  func.func @transform_2(%arg0: i32) -> (i32, i32) {
    %c0_i32 = arith.constant 0 : i32
    %c0_i32_0 = arith.constant 0 : i32
    return %arg0, %c0_i32 : i32, i32
  }
  func.func @transform_3(%arg0: i32) -> (i32, i32) {
    %c0_i32 = arith.constant 0 : i32
    %c0_i32_0 = arith.constant 0 : i32
    %c0_i32_1 = arith.constant 0 : i32
    return %c0_i32, %c0_i32_0 : i32, i32
  }
  func.func @transform_4(%arg0: i32) -> (i32, i32) {
    %c0_i32 = arith.constant 0 : i32
    %c0_i32_0 = arith.constant 0 : i32
    %c0_i32_1 = arith.constant 0 : i32
    return %c0_i32, %c0_i32_0 : i32, i32
  }
  func.func @transform_5(%arg0: i32) -> (i32, i32) {
    %c0_i32 = arith.constant 0 : i32
    %c0_i32_0 = arith.constant 0 : i32
    %c0_i32_1 = arith.constant 0 : i32
    return %c0_i32, %c0_i32_0 : i32, i32
  }
  func.func @transform_6(%arg0: i32) -> (i32, i32) {
    %c0_i32 = arith.constant 0 : i32
    %c0_i32_0 = arith.constant 0 : i32
    %c0_i32_1 = arith.constant 0 : i32
    return %c0_i32, %c0_i32_0 : i32, i32
  }
  func.func @transform_7(%arg0: i32) -> (i32, i32) {
    %c0_i32 = arith.constant 0 : i32
    %c0_i32_0 = arith.constant 0 : i32
    %c0_i32_1 = arith.constant 0 : i32
    return %c0_i32, %c0_i32_0 : i32, i32
  }
  func.func @transform_8(%arg0: i32) -> (i32, i32) {
    %c0_i32 = arith.constant 0 : i32
    %c0_i32_0 = arith.constant 0 : i32
    %c0_i32_1 = arith.constant 0 : i32
    return %c0_i32, %c0_i32_0 : i32, i32
  }
  func.func @transform_9(%arg0: i32) -> (i32, i32) {
    %c0_i32 = arith.constant 0 : i32
    %c0_i32_0 = arith.constant 0 : i32
    %c0_i32_1 = arith.constant 0 : i32
    return %c0_i32, %c0_i32_0 : i32, i32
  }
  func.func @transform_10(%arg0: i32) -> (i32, i32) {
    %c0_i32 = arith.constant 0 : i32
    %c0_i32_0 = arith.constant 0 : i32
    %c0_i32_1 = arith.constant 0 : i32
    return %c0_i32, %c0_i32_0 : i32, i32
  }
}

</mosaic_0001>

<sc_bundles>
// kernel: kernel.4.cloned.1.call-start
scs
__scs_entry_jumppad:
0x0: {  	(pc) =	sbr.rel $0x88, $3  }
0x1: {  	(tag) =	ssettag $0x0;
	lr =	simm.s32 $0x1  }
0x2: {  	[smem:$0x3F9B] =	sst lr;
	_ =	strace $0xD0000000  }
0x3: {  	_ = 	snop  }
0x4: {  	_ = 	snop  }
0x5: {  	_ = 	snop  }
0x6: {  	_ = 	snop  }
0x7: {  	_ = 	snop  }
__scs_overlays_trampoline_lowered:
0x8: {  	[smem:$0x3FAA] =	sst s0  }
0x9: {  	[smem:$0x3FAB] =	sst s1  }
0xa: {  	[smem:$0x3FAC] =	sst s2  }
0xb: {  	[smem:$0x3FAD] =	sst s3  }
0xc: {  	[smem:$0x3FAE] =	sst s4  }
0xd: {  	[smem:$0x3FAF] =	sst s5  }
0xe: {  	[smem:$0x3FB0] =	sst s6  }
0xf: {  	[smem:$0x3FB1] =	sst s7  }
0x10: {  	[smem:$0x3FB2] =	sst s8  }
0x11: {  	[smem:$0x3FB3] =	sst s9;
	s0 =	simm.s32 @!p0 $0x0  }
0x12: {  	s1 =	sld [smem:$0x3F99];
	s0 =	simm.s32 @p0 $0x1  }
0x13: {  	[smem:$0x3FB4] =	sst s0;
	s0 =	simm.s32 @!p1 $0x0  }
0x14: {  	s2 =	sld [smem:$0x3F98];
	s0 =	simm.s32 @p1 $0x1  }
0x15: {  	[smem:$0x3FB5] =	sst s0;
	s0 =	simm.s32 @!p2 $0x0  }
0x16: {  	s3 =	sld [smem:$0x3FDB];
	s0 =	simm.s32 @p2 $0x1  }
0x17: {  	s4 =	simm.s32 $0x1BF5;
	[smem:$0x3FB7] =	sst s0  }
0x18: {  	s0 =	sld [smem:$0x3F9A];
	_ =	swait.ge [sflag:s4], $0x0  }
0x19: {  	s7 =	sld [smem:$0x3F9B]  }
0x1a: {  	s8 =	sadd.s32 $0xFFFFE003, lr  }
0x1b: {  	s9 =	sadd.s32 $0xFFFFFEF7, lr;
	s5 =	simm.s32 $0xFFFFFFFF;
	p2 =	slt.u32 s8, $0xFFFFF086  }
0x1c: {  	p1 =	slt.u32 s9, $0xF7A;
	s5 =	simm.s32 @!p2 $0x0  }
0x1d: {  	s5 =	simm.s32 @p1 $0x1;
	p0 =	seq.s32 s7, s2  }
0x1e: {  	s7 =	smul.u32 @!p0 $0xF7A, s2;
	p2 =	seq.s32 @!p0 s5, $0x0  }
0x1f: {  	s9 =	smul.u32 $0xF7A, s1;
	s8 =	simm.s32 @!p0 $0x1BF5;
	p2 =	por !p2, p0  }
0x20: {  	[sflag:s8] =	ssyncset.s32 @!p0 $0xFFFFF086;
	s6 =	sadd.s32 @!p0 s3, s7;
	s7 =	simm.s32 @!p0 $0x108  }
0x21: {  	s3 =	sadd.s32 s3, s9;
	s6 =	sadd.s32 @!p0 $0x88, s6;
	s7 =	simm.s32 @p2 $0x1082  }
0x22: {  	[simem:s7], [sflag:s8] =	dma.local @!p0 [hbm:s6], $0xF7A  }
0x23: {  	s9 =	sor.u32 $0xD0000000, s2;
	s6 =	simm.s32 $0x108;
	_ =	swait.ge @!p0 [sflag:s8], $0x0  }
0x24: {  	s3 =	sadd.s32 $0x88, s3;
	s6 =	simm.s32 @!p1 $0x1082;
	[sflag:s4] =	ssyncset.s32 $0xFFFFF086  }
0x25: {  	[simem:s6], [sflag:s4] =	dma.local [hbm:s3], $0xF7A  }
0x26: {  	[smem:$0x3F9B] =	sst s1;
	(tag) =	ssettag s2;
	_ =	strace s9  }
0x27: {  	s1 =	sld [smem:$0x3FAB]  }
0x28: {  	s2 =	sld [smem:$0x3FAC]  }
0x29: {  	s4 =	sld [smem:$0x3FAE]  }
0x2a: {  	p0 =	seq.s32 s5, $0x0;
	s5 =	sld [smem:$0x3FAF]  }
0x2b: {  	s6 =	sld [smem:$0x3FB0]  }
0x2c: {  	s7 =	sld [smem:$0x3FB1]  }
0x2d: {  	s3 =	simm.s32 $0x108;
	s8 =	sld [smem:$0x3FB2]  }
0x2e: {  	s3 =	simm.s32 @!p0 $0x1082;
	s9 =	sld [smem:$0x3FB3]  }
0x2f: {  	lr =	sadd.s32 s0, s3;
	s0 =	sld [smem:$0x3FAA]  }
0x30: {  	s3 =	sld [smem:$0x3FAD]  }
0x31: {  	[smem:$0x3FB6] =	sst s10  }
0x32: {  	s10 =	sld [smem:$0x3FB4];
	_ =	sdelay $0x3  }
0x33: {  	p0 =	seq.s32 s10, $0x1;
	s10 =	sld [smem:$0x3FB6];
	_ =	sdelay $0x3  }
0x34: {  	[smem:$0x3FB6] =	sst s10  }
0x35: {  	s10 =	sld [smem:$0x3FB5];
	_ =	sdelay $0x3  }
0x36: {  	p1 =	seq.s32 s10, $0x1;
	s10 =	sld [smem:$0x3FB6];
	_ =	sdelay $0x3  }
0x37: {  	[smem:$0x3FB6] =	sst s10  }
0x38: {  	s10 =	sld [smem:$0x3FB7]  }
0x39: {  	_ = 	snop;
	(pc) =	sbr.ind lr, $3  }
0x3a: {  	_ = 	snop  }
0x3b: {  	_ = 	snop  }
0x3c: {  	p2 =	seq.s32 s10, $0x1;
	s10 =	sld [smem:$0x3FB6]  }
0x3d: {  	_ =	shalt  }
0x3e: {  	_ =	shalt  }
0x3f: {  	_ =	shalt  }
0x40: {  	_ =	shalt  }
0x41: {  	_ =	shalt  }
0x42: {  	_ =	shalt  }
0x43: {  	_ =	shalt  }
0x44: {  	_ =	shalt  }
0x45: {  	_ =	shalt  }
0x46: {  	_ =	shalt  }
0x47: {  	_ =	shalt  }
0x48: {  	_ =	shalt  }
0x49: {  	_ =	shalt  }
0x4a: {  	_ =	shalt  }
0x4b: {  	_ =	shalt  }
0x4c: {  	_ =	shalt  }
0x4d: {  	_ =	shalt  }
0x4e: {  	_ =	shalt  }
0x4f: {  	_ =	shalt  }
0x50: {  	_ =	shalt  }
0x51: {  	_ =	shalt  }
0x52: {  	_ =	shalt  }
0x53: {  	_ =	shalt  }
0x54: {  	_ =	shalt  }
0x55: {  	_ =	shalt  }
0x56: {  	_ =	shalt  }
0x57: {  	_ =	shalt  }
0x58: {  	_ =	shalt  }
0x59: {  	_ =	shalt  }
0x5a: {  	_ =	shalt  }
0x5b: {  	_ =	shalt  }
0x5c: {  	_ =	shalt  }
0x5d: {  	_ =	shalt  }
0x5e: {  	_ =	shalt  }
0x5f: {  	_ =	shalt  }
0x60: {  	_ =	shalt  }
0x61: {  	_ =	shalt  }
0x62: {  	_ =	shalt  }
0x63: {  	_ =	shalt  }
0x64: {  	_ =	shalt  }
0x65: {  	_ =	shalt  }
0x66: {  	_ =	shalt  }
0x67: {  	_ =	shalt  }
0x68: {  	_ =	shalt  }
0x69: {  	_ =	shalt  }
0x6a: {  	_ =	shalt  }
0x6b: {  	_ =	shalt  }
0x6c: {  	_ =	shalt  }
0x6d: {  	_ =	shalt  }
0x6e: {  	_ =	shalt  }
0x6f: {  	_ =	shalt  }
0x70: {  	_ =	shalt  }
0x71: {  	_ =	shalt  }
0x72: {  	_ =	shalt  }
0x73: {  	_ =	shalt  }
0x74: {  	_ =	shalt  }
0x75: {  	_ =	shalt  }
0x76: {  	_ =	shalt  }
0x77: {  	_ =	shalt  }
0x78: {  	_ =	shalt  }
0x79: {  	_ =	shalt  }
0x7a: {  	_ =	shalt  }
0x7b: {  	_ =	shalt  }
0x7c: {  	_ =	shalt  }
0x7d: {  	_ =	shalt  }
0x7e: {  	_ =	shalt  }
0x7f: {  	_ =	shalt  }
0x80: {  	_ =	shalt  }
0x81: {  	_ =	shalt  }
0x82: {  	_ =	shalt  }
0x83: {  	_ =	shalt  }
0x84: {  	_ =	shalt  }
0x85: {  	_ =	shalt  }
0x86: {  	_ =	shalt  }
0x87: {  	_ =	shalt  }
.Lfunc_end0:
.L_simem_size_0:
called_computation_lowered:
.L_overlay_start_0:
0x88: {  	s2 =	sld [smem:$0x3FD9]  }
0x89: {  	s3 =	sld [smem:$0x3FFE];
	_ =	sdelay $0x1  }
0x8a: {  	s1 =	srdreg.scid  }
0x8b: {  	s0 =	sand.u32 $0x1, s1  }
0x8c: {  	s17 =	sshll.u32 s0, $0xA;
	s2 =	sadd.s32 s3, s2  }
0x8d: {  	s2 =	sadd.s32 s2, s17  }
0x8e: {  	[smem:$0x3FC2] =	sst s2  }
0x8f: {  	_ = 	snop  }
0x90: {  	s2 =	sld [smem:$0x3FC9]  }
0x91: {  	s18 =	sld [smem:$0x3FD0];
	(tm) =	ssettm $0x1  }
0x92: {  	s4 =	sld [smem:$0x3FFB];
	_ =	sdelay $0x3  }
0x93: {  	_ =	strace s4  }
0x94: {  	s4 =	sld [smem:$0x3FFC];
	_ =	sdelay $0x3  }
0x95: {  	_ =	strace s4  }
0x96: {  	s4 =	sld [smem:$0x3FFD];
	_ =	sdelay $0x3  }
0x97: {  	_ =	strace s4  }
0x98: {  	_ =	strace $0x8FFFFFFF  }
0x99: {  	s19 =	sld [smem:$0x3FDB];
	_ =	sdelay $0x1  }
0x9a: {  	s5 =	simm.s32 $_scs_section_size  }
0x9b: {  	s6 =	simm.s32 $_size__tile_overlayer_lowered;
	s7 =	simm.s32 $_tile_overlayer_lowered  }
0x9c: {  	s22 =	simm.s32 $0x1BFF;
	s21 =	sshll.u32 s7, $0x1;
	s4 =	sadd.s32 s5, s19  }
0x9d: {  	s8 =	simm.s32 $0x0;
	s20 =	sshll.u32 s6, $0x1;
	s6 =	sadd.s32 s21, s4  }
0x9e: {  	[timem:s8], [sflag:s22] =	dma.local [hbm:s6], s20  }
0x9f: {  	_ =	swait.ge [sflag:s22], s20  }
0xa0: {  	s5 =	ssub.s32 $0x0, s20;
	[sflag:s22] =	ssyncset.done $0x0  }
0xa1: {  	[sflag:s22] =	ssyncadd.s32 s5;
	_ =	sdelay $0x1  }
0xa2: {  	s23 =	simm.s32 $0x1B8B  }
0xa3: {  	_ =	swait.ge [sflag:s23], $0x1  }
0xa4: {  	[sflag:s23] =	ssyncset.done $0x0  }
0xa5: {  	s25 =	simm.s32 $0x1B8E;
	s24 =	sld [smem:$0x3FFE];
	[sflag:s23] =	ssyncadd.s32 $0xFFFFFFFF  }
0xa6: {  	s26 =	simm.s32 $execute0_lowered;
	[smem:$0x3FD2] =	sst s25  }
0xa7: {  	s6 =	sshll.u32 s26, $0x1;
	_ =	strace $0x80000046;
	[dreg:$0x1] =	wrdreg $0xFFFFFFFF  }
0xa8: {  	s28 =	simm.s32 $_size_execute0_lowered;
	s4 =	sadd.s32 s4, s6;
	[dreg:$0x0] =	wrdreg $0x0  }
0xa9: {  	s6 =	sshll.u32 s28, $0x1;
	[dreg:$0x2] =	wrdreg s4  }
0xaa: {  	[dreg:$0x3] =	wrdreg s6  }
0xab: {  	[dreg:$0x4] =	wrdreg $0xC0  }
0xac: {  	_ =	task [dreg:s8], $0x5FFFF  }
0xad: {  	[dreg:$0x1] =	wrdreg $0xFFFFFFFF  }
0xae: {  	[dreg:$0x0] =	wrdreg $0x60  }
0xaf: {  	[dreg:$0x2] =	wrdreg s18  }
0xb0: {  	[dreg:$0x3] =	wrdreg s24  }
0xb1: {  	[dreg:$0x4] =	wrdreg s2  }
0xb2: {  	[dreg:$0x5] =	wrdreg $0x9  }
0xb3: {  	_ =	task.clear_ibuf [dreg:s8], $0x6FFFF;
	_ =	strace $0x90000046  }
0xb4: {  	s29 =	simm.s32 $0x9;
	_ =	strace $0x80000048  }
0xb5: {  	_ =	swait.ge [sflag:s29], $0x1  }
0xb6: {  	[sflag:s29] =	ssyncadd.s32 $0xFFFFFFFF  }
0xb7: {  	_ =	strace $0x90000048  }
0xb8: {  	_ =	sfence  }
0xb9: {  	s30 =	sld [smem:$0x0];
	_ =	sdelay $0x2  }
0xba: {  	s31 =	sshll.u32 s1, $0xD;
	s1 =	sshrl.u32 s1, $0x2  }
0xbb: {  	s3 =	sand.u32 $0x4000, s31;
	s1 =	sadd.s32 s1, s30  }
0xbc: {  	s0 =	sor.u32 s3, s0;
	s1 =	sshll.u32 s1, $0x11  }
0xbd: {  	s0 =	sor.u32 s1, s0  }
0xbe: {  	s0 =	sadd.s32 $0x8F2B, s0  }
0xbf: {  	[sflag:s0] =	ssyncadd.remote.s32 $0x1  }
0xc0: {  	_ =	sfence.sel $0xFFFF  }
0xc1: {  	[dreg:$0x0] =	wrdreg $0xFFFFFFFF;
	(pc) =	sbr.abs _section_cstart, $3  }
0xc2: {  	[dreg:$0x1] =	wrdreg $0xFFFFFFFF  }
0xc3: {  	_ =	task.clear_ibuf [dreg:s8], $0x2FFFF;
	_ =	strace $0x9FFFFFFF  }
0xc4: {  	(tm) =	ssettm $0x7FFFFFFF  }
0xc5: {  	_ =	shalt  }
tec
execute0_lowered:
.L_overlay_start_1:
0x0: {  	(tag) =	ssettag $0x1  }
0x1: {  	s3 =	rddreg [dreg:$0x0]  }
0x2: {  	s4 =	rddreg [dreg:$0x1]  }
0x3: {  	s8 =	rddreg [dreg:$0x2]  }
0x4: {  	s0 =	rddreg [dreg:$0x3];
	s5 =	srdreg.scid;
	s2 =	simm.s32 $0x0  }
0x5: {  	s1 =	stileid.u32;
	s17 =	simm.s32 $0x1;
	s18 =	simm.s32 $0x2100  }
0x6: {  	s19 =	simm.s32 $0x2900;
	s20 =	simm.s32 $0x0;
	s10 =	sand.u32 $0x1, s5  }
0x7: {  	s29 =	sshll.u32 s1, $0x7;
	s11 =	sshrl.u32 s1, $0x3;
	[smem:$0x7FF] =	sst s2  }
0x8: {  	s6 =	sshll.u32 s10, $0x1;
	s5 =	sand.u32 $0x380, s29;
	_ =	strace $0x80000047  }
0x9: {  	s30 =	ssub.s32 $0x2, s10;
	s31 =	sshll.u32 s10, $0xC;
	s16 =	sshll.u32 s11, $0xB  }
0xa: {  	s13 =	sor.u32 s11, s6;
	s9 =	sshrl.u32 s5, $0x3;
	s14 =	sshrl.u32 s30, $0x1  }
0xb: {  	s6 =	sshll.u32 s13, $0xE;
	s7 =	sadd.s32 s9, s4;
	s12 =	sshll.u32 s13, $0x8  }
0xc: {  	s14 =	ssub.s32 s30, s14;
	s8 =	sadd.s32 s8, s9;
	p0 =	sne.s32 s13, $0x0  }
0xd: {  	s13 =	simm.s32 $0x80;
	s5 =	sor.u32 s5, s6;
	s12 =	sadd.s32 s12, s4  }
.Ltmp0:
0xe: {  	s6 =	sadd.s32 $0x2000, s7;
	s7 =	sadd.s32 $0x2200, s7;
	(pc) =	sbr.rel .LBB2_1-.Ltmp0, $4  }
0xf: {  	s11 =	smax.u32 s14, $0x1;
	s14 =	simm.s32 $0x400;
	s5 =	sshrl.u32 s5, $0x3  }
0x10: {  	s15 =	sadd.s32 s5, s4;
	s3 =	sadd.s32 s3, s5;
	s4 =	sadd.s32 $0x1800, s12  }
0x11: {  	s5 =	sadd.s32 $0x1C00, s12;
	s12 =	sor.u32 s16, s31;
	s16 =	simm.s32 $0x2080  }
0x12: {  	v0 =	vlaneseq.u32;
	s9 =	sadd.s32 $0x2400, s15;
	s10 =	sadd.s32 $0x4400, s15;
	s15 =	simm.s32 $0x2000  }
.LBB2_8:
0x13: {  	[hbm4b:s9+s13] =	stream.strided.scatter [tilespmem:s18], [sflag:$0x1], $0x800, s14, s13, $0x38;
	[tilespmem:$0x3100] =	vst v63  }
0x14: {  	s20 =	sadd.s32 $0x1, s20  }
0x15: {  	[hbm4b:s10+s13] =	stream.strided.scatter [tilespmem:s19], [sflag:$0x1], $0x800, s14, s13, $0x38;
	[tilespmem:$0x3100] =	vst v63  }
0x16: {  	p1 =	sne.s32 s20, s11;
	_ =	swait.ge [sflag:s17], $0x800  }
.Ltmp1:
0x17: {  	[sflag:s17] =	ssyncset.done $0x0;
	(pc) =	sbr.rel @!p1 .LBB2_9-.Ltmp1, $4  }
0x18: {  	[sflag:s17] =	ssyncadd.s32 $0xFFFFF800  }
0x19: {  	_ =	swait.ge [sflag:s17], $0x800  }
0x1a: {  	[sflag:s17] =	ssyncset.done $0x0  }
0x1b: {  	[sflag:s17] =	ssyncadd.s32 $0xFFFFF800  }
.LBB2_1:
0x1c: {  	[tilespmem:s2], [sflag:$0x1] =	stream.strided.gather [hbm4b:s3+s13], $0x800, s14, s13, $0x38;
	[tilespmem:$0x3100] =	vst v63  }
0x1d: {  	s21 =	simm.s32 $0x800  }
0x1e: {  	[tilespmem:s21], [sflag:$0x1] =	stream.linear.gather [hbm4b:s4+s2], $0x800, $0x38;
	[tilespmem:$0x3100] =	vst v63  }
0x1f: {  	s23 =	simm.s32 $0x1000  }
0x20: {  	[tilespmem:s23], [sflag:$0x1] =	stream.linear.gather [hbm4b:s5+s2], $0x800, $0x38;
	[tilespmem:$0x3100] =	vst v63  }
0x21: {  	_ = 	snop  }
0x22: {  	[tilespmem:s15], [sflag:$0x1] =	stream.linear.gather [hbm4b:s6+s2], $0x80, $0x38;
	[tilespmem:$0x3100] =	vst v63  }
0x23: {  	_ = 	snop  }
0x24: {  	[tilespmem:s16], [sflag:$0x1] =	stream.linear.gather [hbm4b:s7+s2], $0x80, $0x38;
	[tilespmem:$0x3100] =	vst v63  }
0x25: {  	s22 =	simm.s32 $0x1800  }
0x26: {  	[tilespmem:s22], [sflag:$0x1] =	stream.strided.gather [hbm4b:s8+s13], $0x800, s14, s13, $0x38;
	[tilespmem:$0x3100] =	vst v63  }
0x27: {  	_ =	swait.ge [sflag:s17], $0x800  }
0x28: {  	[sflag:s17] =	ssyncset.done $0x0  }
0x29: {  	[sflag:s17] =	ssyncadd.s32 $0xFFFFF800  }
0x2a: {  	_ =	swait.ge [sflag:s17], $0x800  }
0x2b: {  	[sflag:s17] =	ssyncset.done $0x0  }
0x2c: {  	[sflag:s17] =	ssyncadd.s32 $0xFFFFF800  }
0x2d: {  	_ =	swait.ge [sflag:s17], $0x800  }
0x2e: {  	[sflag:s17] =	ssyncset.done $0x0  }
0x2f: {  	[sflag:s17] =	ssyncadd.s32 $0xFFFFF800  }
0x30: {  	_ =	swait.ge [sflag:s17], $0x80  }
0x31: {  	[sflag:s17] =	ssyncset.done $0x0  }
0x32: {  	[sflag:s17] =	ssyncadd.s32 $0xFFFFFF80  }
0x33: {  	_ =	swait.ge [sflag:s17], $0x80  }
0x34: {  	[sflag:s17] =	ssyncset.done $0x0  }
0x35: {  	[sflag:s17] =	ssyncadd.s32 $0xFFFFFF80  }
0x36: {  	_ =	swait.ge [sflag:s17], $0x800  }
0x37: {  	[sflag:s17] =	ssyncset.done $0x0  }
.Ltmp2:
0x38: {  	[sflag:s17] =	ssyncadd.s32 $0xFFFFF800;
	(pc) =	sbr.rel @!p0 .LBB2_2-.Ltmp2, $3  }
0x39: {  	v2 =	vld [tilespmem:$0x2000]  }
0x3a: {  	v3 =	vld [tilespmem:$0x2010]  }
0x3b: {  	v1 =	vld [tilespmem:$0x2080];
	_ =	sdelay $0x1  }
0x3c: {  	s23 =	simm.s32 $0x0  }
0x3d: {  	v5 =	vld [tilespmem:s23+$0x0];
	_ =	sdelay $0x4  }
0x3e: {  	s21 =	simm.s32 $0x10;
	v6 =	vshra.s32 v5, $0x1F  }
0x3f: {  	v4 =	vld [tilespmem:s21+$0x0];
	v6 =	vand.u32 $0x7FFFFFFF, v6  }
0x40: {  	v7 =	vor.u32 s12, v0;
	v8 =	vld [tilespmem:s23+$0x1000];
	v6 =	vxor.u32 v5, v6  }
0x41: {  	v9 =	vld [tilespmem:s23+$0x800];
	vm1 =	vle.s32 v7, v3;
	vm0 =	veq.s32 v6, v2  }
0x42: {  	vm2 =	vgt.s32 v6, v2;
	vm0 =	vmand vm1, vm0  }
0x43: {  	vm0 =	vmor vm2, vm0  }
0x44: {  	s22 =	simm.s32 $0x20;
	v7 =	vshra.s32 v4, $0x1F;
	v6 =	vld [tilespmem:s21+$0x800];
	v10 =	vnsel vm0, $0x0, v5  }
0x45: {  	s24 =	sadd.s32 $0x10, s12;
	v7 =	vand.u32 $0x7FFFFFFF, v7;
	v5 =	vld [tilespmem:s22+$0x0];
	v11 =	vmul.f32 v10, v8  }
0x46: {  	v9 =	vmul.f32 v10, v9;
	v10 =	vxor.u32 v4, v7;
	v7 =	vor.u32 s24, v0;
	v8 =	vld [tilespmem:s21+$0x1000]  }
0x47: {  	vm0 =	veq.s32 v10, v2;
	vm1 =	vle.s32 v7, v3;
	v7 =	vld [tilespmem:s22+$0x800];
	v11 =	vmul.f32 v11, v1  }
0x48: {  	vm2 =	vgt.s32 v10, v2;
	vm0 =	vmand vm1, vm0;
	v9 =	vmul.f32 v9, v1  }
0x49: {  	s25 =	simm.s32 $0xC0;
	vm0 =	vmor vm2, vm0;
	[tilespmem:s23+$0x2900] =	vst v11  }
.LBB2_6:
0x4a: {  	s26 =	sshra.s32 s25, $0x2;
	p1 =	sne.s32 s25, $0x1FC0;
	s25 =	sadd.s32 $0x40, s25;
	v10 =	vshra.s32 v5, $0x1F;
	v11 =	vnsel vm0, $0x0, v4;
	[tilespmem:s23+$0x2100] =	vst v9;
	v4 =	vmov v5  }
.Ltmp3:
0x4b: {  	s24 =	sadd.s32 $0x10, s24;
	s23 =	smov.u32 s21;
	v5 =	vld [tilespmem:s26+$0x0];
	v9 =	vand.u32 $0x7FFFFFFF, v10;
	v10 =	vmul.f32 v11, v6;
	v11 =	vmul.f32 v11, v8;
	(pc) =	sbr.rel @p1 .LBB2_6-.Ltmp3, $4  }
0x4c: {  	s21 =	smov.u32 s22;
	v12 =	vor.u32 s24, v0;
	v9 =	vxor.u32 v4, v9;
	v8 =	vld [tilespmem:s22+$0x1000];
	v6 =	vmov v7;
	s22 =	smov.u32 s26  }
0x4d: {  	vm1 =	vle.s32 v12, v3;
	v7 =	vld [tilespmem:s22+$0x800];
	vm0 =	veq.s32 v9, v2;
	v11 =	vmul.f32 v11, v1  }
0x4e: {  	vm2 =	vgt.s32 v9, v2;
	v9 =	vmul.f32 v10, v1;
	vm0 =	vmand vm1, vm0  }
0x4f: {  	vm0 =	vmor vm2, vm0;
	[tilespmem:s23+$0x2900] =	vst v11  }
0x50: {  	v10 =	vshra.s32 v5, $0x1F  }
0x51: {  	[tilespmem:s23+$0x2100] =	vst v9;
	s31 =	sadd.s32 $0x10, s24;
	v61 =	vand.u32 $0x7FFFFFFF, v10  }
0x52: {  	v62 =	vor.u32 s31, v0;
	v11 =	vld [tilespmem:s22+$0x1000];
	v9 =	vxor.u32 v5, v61  }
0x53: {  	vm1 =	vle.s32 v62, v3;
	vm2 =	veq.s32 v9, v2  }
0x54: {  	v3 =	vnsel vm0, $0x0, v4;
	vm15 =	vgt.s32 v9, v2;
	vm1 =	vmand vm1, vm2  }
0x55: {  	v2 =	vmul.f32 v3, v8;
	vm0 =	vmor vm15, vm1  }
0x56: {  	v3 =	vmul.f32 v3, v6;
	v63 =	vnsel vm0, $0x0, v5  }
0x57: {  	v2 =	vmul.f32 v2, v1;
	v5 =	vmul.f32 v63, v11  }
.Ltmp4:
0x58: {  	v3 =	vmul.f32 v3, v1;
	v4 =	vmul.f32 v63, v7;
	(pc) =	sbr.rel .LBB2_8-.Ltmp4, $4  }
0x59: {  	[tilespmem:s21+$0x2900] =	vst v2;
	v2 =	vmul.f32 v5, v1  }
0x5a: {  	[tilespmem:s21+$0x2100] =	vst v3;
	v1 =	vmul.f32 v4, v1  }
0x5b: {  	[tilespmem:s22+$0x2900] =	vst v2  }
0x5c: {  	[tilespmem:s22+$0x2100] =	vst v1  }
.LBB2_2:
0x5d: {  	v5 =	vld [tilespmem:s2+$0x0];
	_ =	sdelay $0x4  }
0x5e: {  	v4 =	vld [tilespmem:$0x2090];
	v6 =	vshra.s32 v5, $0x1F  }
0x5f: {  	v7 =	vld [tilespmem:s21+$0x0];
	v6 =	vand.u32 $0x7FFFFFFF, v6  }
0x60: {  	v8 =	vor.u32 s2, v0;
	v9 =	vld [tilespmem:s22+$0x0];
	v6 =	vxor.u32 v5, v6  }
0x61: {  	vm1 =	vle.s32 v8, v3;
	vm0 =	veq.s32 v6, v2  }
0x62: {  	vm2 =	vgt.s32 v6, v2;
	vm0 =	vmand vm1, vm0  }
0x63: {  	vm0 =	vmor vm2, vm0  }
0x64: {  	v6 =	vnsel vm0, $0x0, v5  }
0x65: {  	v5 =	vmul.f32 v6, v7;
	v7 =	vmul.f32 v9, v4;
	_ =	sdelay $0x1  }
0x66: {  	v5 =	vadd.f32 v5, v7;
	_ =	sdelay $0x1  }
0x67: {  	v7 =	vmul.f32 v5, v1;
	_ =	sdelay $0x1  }
0x68: {  	v5 =	vld [tilespmem:$0x20A0];
	[tilespmem:s18+$0x0] =	vst v7  }
0x69: {  	v7 =	vld [tilespmem:s23+$0x0];
	_ =	sdelay $0x4  }
0x6a: {  	v6 =	vmul.f32 v6, v7;
	v7 =	vmul.f32 v9, v5;
	_ =	sdelay $0x1  }
0x6b: {  	v6 =	vadd.f32 v6, v7;
	_ =	sdelay $0x1  }
0x6c: {  	s24 =	simm.s32 $0x2110;
	s25 =	simm.s32 $0x1010;
	s26 =	simm.s32 $0x2910;
	v6 =	vmul.f32 v6, v1  }
0x6d: {  	s29 =	simm.s32 $0x2900;
	s28 =	simm.s32 $0x0;
	s23 =	simm.s32 $0x10  }
.LBB2_3:
0x6e: {  	[tilespmem:s29+$0x0] =	vst v6;
	s28 =	sadd.s32 $0x10, s28;
	s22 =	sadd.s32 $0x10, s22;
	s21 =	sadd.s32 $0x10, s21  }
0x6f: {  	p1 =	seq.s32 s23, $0x7F0;
	s30 =	smov.u32 s23;
	s23 =	sadd.s32 $0x10, s23;
	v6 =	vld [tilespmem:s28+$0x0]  }
0x70: {  	s29 =	smov.u32 s26;
	_ =	sdelay $0x3  }
0x71: {  	v7 =	vshra.s32 v6, $0x1F  }
0x72: {  	v7 =	vand.u32 $0x7FFFFFFF, v7;
	v8 =	vld [tilespmem:s21+$0x0]  }
0x73: {  	v9 =	vor.u32 s30, v0;
	v7 =	vxor.u32 v6, v7;
	v10 =	vld [tilespmem:s22+$0x0]  }
0x74: {  	vm1 =	vle.s32 v9, v3;
	vm0 =	veq.s32 v7, v2  }
0x75: {  	vm2 =	vgt.s32 v7, v2;
	vm0 =	vmand vm1, vm0  }
0x76: {  	vm0 =	vmor vm2, vm0  }
0x77: {  	v6 =	vnsel vm0, $0x0, v6  }
0x78: {  	v7 =	vmul.f32 v6, v8;
	v8 =	vmul.f32 v10, v4;
	_ =	sdelay $0x1  }
0x79: {  	v7 =	vadd.f32 v7, v8;
	_ =	sdelay $0x1  }
0x7a: {  	v7 =	vmul.f32 v7, v1;
	_ =	sdelay $0x1  }
0x7b: {  	[tilespmem:s24+$0x0] =	vst v7  }
0x7c: {  	v7 =	vld [tilespmem:s25+$0x0];
	_ =	sdelay $0x4  }
0x7d: {  	v6 =	vmul.f32 v6, v7;
	v7 =	vmul.f32 v10, v5  }
.Ltmp5:
0x7e: {  	(pc) =	sbr.rel @!p1 .LBB2_3-.Ltmp5, $3  }
0x7f: {  	v6 =	vadd.f32 v6, v7;
	_ =	sdelay $0x1  }
0x80: {  	v6 =	vmul.f32 v6, v1  }
0x81: {  	s26 =	sadd.s32 $0x10, s26;
	s24 =	sadd.s32 $0x10, s24;
	s25 =	sadd.s32 $0x10, s25  }
.Ltmp6:
0x82: {  	(pc) =	sbr.rel .LBB2_8-.Ltmp6, $2  }
0x83: {  	_ =	sdelay $0x2  }
0x84: {  	[tilespmem:s29+$0x0] =	vst v6  }
.LBB2_9:
0x85: {  	_ =	sfence.sel $0x180000  }
0x86: {  	[bflag:$0x0] =	sbarrier.arrive $0xFFFF  }
0x87: {  	p0 =	sne.s32 s1, $0x0;
	_ =	strace $0x90000047  }
0x88: {  	s0 =	sadd.s32 @!p0 $0x100000, s0;
	[bflag:$0x2] =	sbarrier.arrive $0xFFFF  }
0x89: {  	[sflag:s0] =	ssyncadd.tile.s32 @!p0 $0x1;
	_ =	shalt  }
.Lfunc_end2:
_tile_overlayer_lowered:
.L_overlay_start_2:
0x8a: {  	(tag) =	ssettag $0x2  }
0x8b: {  	s0 =	rddreg [dreg:$0x0];
	s2 =	stileid.u32  }
0x8c: {  	s1 =	rddreg [dreg:$0x1];
	p0 =	sne.s32 s2, $0x0  }
0x8d: {  	s3 =	rddreg [dreg:$0x2];
	[bflag:$0x3] =	sbarrier.arrive $0xFFFF;
	s2 =	simm.s32 @!p0 $0x1C02  }
0x8e: {  	[timem:s3], [sflag:s2] =	dma.local @!p0 [hbm:s0], s1  }
0x8f: {  	s0 =	simm.s32 @!p0 $0x2  }
0x90: {  	_ =	swait.ge @!p0 [sflag:s0], s1  }
0x91: {  	s1 =	ssub.s32 @!p0 $0x0, s1;
	[sflag:s0] =	ssyncset.done @!p0 $0x0  }
0x92: {  	[sflag:s0] =	ssyncadd.s32 @!p0 s1  }
0x93: {  	[bflag:$0x3] =	sbarrier.arrive $0xFFFF  }
0x94: {  	_ =	shalt  }

</sc_bundles>
